<compile_context>
chip_gen: v7x
topology: tpu7x:2x2x1
jax: 0.10.2.dev20260603
libtpu: 0.0.44.dev20260713+nightly
codegen_flags: <defaults>
</compile_context>

<pallas_src>
import functools

import jax
import jax.numpy as jnp
from jax import lax
from jax.experimental import pallas as pl
from jax.experimental.pallas import tpu as pltpu
from jax.experimental.pallas import tpu_sc as plsc

N1 = 4096
N2 = 4096
D = 256
BM = 256

NC = 2
NS = 16
NW = NC * NS
CHUNK = N1 // NW
L = 16

def _stage1_body(d0_ref, d1_ref, nn12_ref, sc_ref, nn21_ref, cmax_ref):
    i = pl.program_id(0)
    sim = jax.lax.dot_general(
        d0_ref[...], d1_ref[...],
        dimension_numbers=(((0,), (0,)), ((), ())),
        preferred_element_type=jnp.float32,
    )

    LC = 128
    rv = sim[:, 0:LC]
    rc = jnp.zeros((BM, LC), jnp.int32)
    for c in range(1, N2 // LC):
        v = sim[:, c * LC:(c + 1) * LC]
        m = v > rv
        rv = jnp.where(m, v, rv)
        rc = jnp.where(m, c, rc)
    rmax = jnp.max(rv, axis=1, keepdims=True)
    cand_j = rc * LC + lax.broadcasted_iota(jnp.int32, (BM, LC), 1)
    rarg = jnp.min(jnp.where(rv == rmax, cand_j, 2**30),
                   axis=1, keepdims=True)
    nn12_ref[...] = rarg
    sc_ref[...] = rmax

    SC_ = 8
    cv = sim[0:SC_, :]
    cc = jnp.zeros((SC_, N2), jnp.int32)
    for c in range(1, BM // SC_):
        v = sim[c * SC_:(c + 1) * SC_, :]
        m = v > cv
        cv = jnp.where(m, v, cv)
        cc = jnp.where(m, c, cc)
    bmax = jnp.max(cv, axis=0, keepdims=True)
    cand_i = cc * SC_ + lax.broadcasted_iota(jnp.int32, (SC_, N2), 0) + i * BM
    barg = jnp.min(jnp.where(cv == bmax, cand_i, 2**30),
                   axis=0, keepdims=True)

    @pl.when(i == 0)
    def _init():
        cmax_ref[...] = bmax
        nn21_ref[...] = barg

    @pl.when(i > 0)
    def _update():
        prev_max = cmax_ref[...]
        prev_arg = nn21_ref[...]
        better = bmax > prev_max
        cmax_ref[...] = jnp.where(better, bmax, prev_max)
        nn21_ref[...] = jnp.where(better, barg, prev_arg)


def _stage1(d0, d1):
    grid = (N1 // BM,)
    return pl.pallas_call(
        _stage1_body,
        grid=grid,
        in_specs=[
            pl.BlockSpec((D, BM), lambda i: (0, i)),
            pl.BlockSpec((D, N2), lambda i: (0, 0)),
        ],
        out_specs=[
            pl.BlockSpec((BM, 1), lambda i: (i, 0)),
            pl.BlockSpec((BM, 1), lambda i: (i, 0)),
            pl.BlockSpec((1, N2), lambda i: (0, 0)),
        ],
        out_shape=[
            jax.ShapeDtypeStruct((N1, 1), jnp.int32),
            jax.ShapeDtypeStruct((N1, 1), jnp.float32),
            jax.ShapeDtypeStruct((1, N2), jnp.int32),
        ],
        scratch_shapes=[pltpu.VMEM((1, N2), jnp.float32)],
    )(d0, d1)


def _stage2_body(nn12_hbm, nn21_hbm, sc_hbm, oi_hbm, os_hbm,
                 idx_v, g_v, s_v, oi_v, os_v, sem):
    c = lax.axis_index("c")
    s = lax.axis_index("s")
    wid = s * NC + c
    base = wid * CHUNK
    pltpu.sync_copy(nn12_hbm.at[pl.ds(base, CHUNK)], idx_v)
    pltpu.sync_copy(sc_hbm.at[pl.ds(base, CHUNK)], s_v)
    pltpu.async_copy(nn21_hbm.at[idx_v], g_v, sem).wait()
    for k in range(CHUNK // L):
        idx = idx_v[pl.ds(k * L, L)]
        g = g_v[pl.ds(k * L, L)]
        ids = lax.iota(jnp.int32, L) + (base + k * L)
        m = g == ids
        oi_v[pl.ds(k * L, L)] = jnp.where(m, idx, jnp.int32(-1))
        os_v[pl.ds(k * L, L)] = jnp.where(m, s_v[pl.ds(k * L, L)],
                                          jnp.float32(-1.0))
    pltpu.sync_copy(oi_v, oi_hbm.at[pl.ds(base, CHUNK)])
    pltpu.sync_copy(os_v, os_hbm.at[pl.ds(base, CHUNK)])


@functools.lru_cache(maxsize=1)
def _get_stage2():
    return functools.partial(
        pl.kernel,
        mesh=plsc.VectorSubcoreMesh(core_axis_name="c", subcore_axis_name="s"),
        out_type=[
            jax.ShapeDtypeStruct((N1,), jnp.int32),
            jax.ShapeDtypeStruct((N1,), jnp.float32),
        ],
        scratch_types=[
            pltpu.VMEM((CHUNK,), jnp.int32),
            pltpu.VMEM((CHUNK,), jnp.int32),
            pltpu.VMEM((CHUNK,), jnp.float32),
            pltpu.VMEM((CHUNK,), jnp.int32),
            pltpu.VMEM((CHUNK,), jnp.float32),
            pltpu.SemaphoreType.DMA,
        ],
    )(_stage2_body)


def kernel(descriptors0, descriptors1, keypoints0, keypoints1):
    d0 = jnp.squeeze(descriptors0, axis=0)
    d1 = jnp.squeeze(descriptors1, axis=0)
    nn12, scores, nn21 = _stage1(d0, d1)
    oi, os = _get_stage2()(nn12.reshape(N1), nn21.reshape(N2),
                           scores.reshape(N1))
    indices0 = oi[None, :]
    mscores0 = os[None, :]
    return indices0, indices0, mscores0, mscores0

# --- scband reference (transcript-rebuilt; emitter-appended) ---
"""Pipeline reference for scband-nn2-14620068675687 (READ-ONLY COPY).

The authoritative reference and input builder live on the scoring server;
editing this copy changes nothing except your own understanding.
"""

import jax, jax.numpy as jnp
import numpy as np

N1 = 4096
N2 = 4096
D = 256


def setup_inputs(seed: int = 0) -> dict:
    key = jax.random.key(seed)
    k0, k1, k2, k3 = jax.random.split(key, 4)
    return {
        "descriptors0": jax.random.normal(k0, (1, D, N1), dtype=jnp.float32),
        "descriptors1": jax.random.normal(k1, (1, D, N2), dtype=jnp.float32),
        "keypoints0": jax.random.uniform(k2, (1, N1, 2), dtype=jnp.float32),
        "keypoints1": jax.random.uniform(k3, (1, N2, 2), dtype=jnp.float32),
    }


def reference(descriptors0, descriptors1, keypoints0, keypoints1):
    # desc1.squeeze().T @ desc2.squeeze() -> sim[N1, N2]
    desc1 = jnp.squeeze(descriptors0)  # [D, N1]
    desc2 = jnp.squeeze(descriptors1)  # [D, N2]
    sim = jnp.matmul(desc1.T, desc2)   # [N1, N2]

    ids1 = jnp.arange(0, sim.shape[0])
    nn12 = jnp.argmax(sim, axis=1)     # best match in image2 for each kp in image1
    nn21 = jnp.argmax(sim, axis=0)     # best match in image1 for each kp in image2
    mask = jnp.equal(ids1, nn21[nn12]) # mutual nearest neighbor check

    # Original writes matches_1[i] into indices0[0, matches_0[i]] for mutual matches,
    # leaving non-mutual entries at -1; equivalent dense formulation:
    indices0 = jnp.where(mask, nn12, -1).astype(jnp.int32)[None, :]   # [1, N1]
    scores = sim[ids1, nn12]
    mscores0 = jnp.where(mask, scores, jnp.float32(-1.0))[None, :]    # [1, N1]

    return indices0, indices0, mscores0, mscores0

if __name__ == "__main__":
    import jax
    _d = setup_inputs()
    print(jax.jit(kernel)(*tuple(_d.values())))

</pallas_src>

<mosaic_0001>
#map = affine_map<(d0, d1) -> (0)>
module attributes {stable_mosaic.version = 14 : i64} {
  func.func @_stage2_body(%arg0: i32, %arg1: i32, %arg2: memref<4096xi32, #tpu.memory_space<hbm>>, %arg3: memref<4096xi32, #tpu.memory_space<hbm>>, %arg4: memref<4096xf32, #tpu.memory_space<hbm>>, %arg5: memref<4096xi32, #tpu.memory_space<hbm>>, %arg6: memref<4096xf32, #tpu.memory_space<hbm>>, %arg7: memref<128xi32, #tpu.memory_space<vmem>>, %arg8: memref<128xi32, #tpu.memory_space<vmem>>, %arg9: memref<128xf32, #tpu.memory_space<vmem>>, %arg10: memref<128xi32, #tpu.memory_space<vmem>>, %arg11: memref<128xf32, #tpu.memory_space<vmem>>, %arg12: memref<!tpu.dma_semaphore, #tpu.memory_space<semaphore_mem>>) attributes {dimension_semantics = [#tpu.dimension_semantics<core_parallel>, #tpu.dimension_semantics<subcore_parallel>], iteration_bounds = array<i64: 2, 16>, scalar_prefetch = 0 : i64, scratch_operands = 6 : i64, tpu.core_type = #tpu.core_type<sc_vector_subcore>, window_params = [{transform_indices = #map}, {transform_indices = #map}, {transform_indices = #map}, {transform_indices = #map}, {transform_indices = #map}]} {
    %mul3A = arith.constant 2 : i32
    %mul3A_0 = arith.muli %arg1, %mul3A : i32
    %add3A = arith.addi %mul3A_0, %arg0 : i32
    %mul3A_1 = arith.constant 128 : i32
    %mul3A_2 = arith.muli %add3A, %mul3A_1 : i32
    "tpu.region"() ({
      %run_scoped3A = tpu.sem_alloc : memref<!tpu.dma_semaphore, #tpu.memory_space<semaphore_mem>>
      %dma_start3A_230 = tpu.memref_slice %arg2[%mul3A_2] : memref<4096xi32, #tpu.memory_space<hbm>> -> memref<128xi32, #tpu.memory_space<hbm>>
      %dma_start3A_231 = tpu.memref_slice %arg2[%mul3A_2] : memref<4096xi32, #tpu.memory_space<hbm>> -> memref<128xi32, #tpu.memory_space<hbm>>
      tpu.enqueue_dma source(%dma_start3A_231 : memref<128xi32, #tpu.memory_space<hbm>>) target(%arg7 : memref<128xi32, #tpu.memory_space<vmem>>) target_semaphore(%run_scoped3A : memref<!tpu.dma_semaphore, #tpu.memory_space<semaphore_mem>>)
      %dma_wait3A_232 = tpu.memref_slice %arg2[%mul3A_2] : memref<4096xi32, #tpu.memory_space<hbm>> -> memref<128xi32, #tpu.memory_space<hbm>>
      %dma_wait3A_233 = tpu.memref_slice %arg2[%mul3A_2] : memref<4096xi32, #tpu.memory_space<hbm>> -> memref<128xi32, #tpu.memory_space<hbm>>
      tpu.wait_dma2 semaphore(%run_scoped3A : memref<!tpu.dma_semaphore, #tpu.memory_space<semaphore_mem>>) src(%dma_wait3A_233 : memref<128xi32, #tpu.memory_space<hbm>>) dst(%arg7 : memref<128xi32, #tpu.memory_space<vmem>>)
      tpu.yield
    }) : () -> ()
    "tpu.region"() ({
      %run_scoped3A = tpu.sem_alloc : memref<!tpu.dma_semaphore, #tpu.memory_space<semaphore_mem>>
      %dma_start3A_230 = tpu.memref_slice %arg4[%mul3A_2] : memref<4096xf32, #tpu.memory_space<hbm>> -> memref<128xf32, #tpu.memory_space<hbm>>
      %dma_start3A_231 = tpu.memref_slice %arg4[%mul3A_2] : memref<4096xf32, #tpu.memory_space<hbm>> -> memref<128xf32, #tpu.memory_space<hbm>>
      tpu.enqueue_dma source(%dma_start3A_231 : memref<128xf32, #tpu.memory_space<hbm>>) target(%arg9 : memref<128xf32, #tpu.memory_space<vmem>>) target_semaphore(%run_scoped3A : memref<!tpu.dma_semaphore, #tpu.memory_space<semaphore_mem>>)
      %dma_wait3A_232 = tpu.memref_slice %arg4[%mul3A_2] : memref<4096xf32, #tpu.memory_space<hbm>> -> memref<128xf32, #tpu.memory_space<hbm>>
      %dma_wait3A_233 = tpu.memref_slice %arg4[%mul3A_2] : memref<4096xf32, #tpu.memory_space<hbm>> -> memref<128xf32, #tpu.memory_space<hbm>>
      tpu.wait_dma2 semaphore(%run_scoped3A : memref<!tpu.dma_semaphore, #tpu.memory_space<semaphore_mem>>) src(%dma_wait3A_233 : memref<128xf32, #tpu.memory_space<hbm>>) dst(%arg9 : memref<128xf32, #tpu.memory_space<vmem>>)
      tpu.yield
    }) : () -> ()
    %dma_start3A = arith.constant 0 : i32
    %dma_start3A_3 = tpu.memref_slice %arg3[%dma_start3A] : memref<4096xi32, #tpu.memory_space<hbm>> -> memref<4096xi32, #tpu.memory_space<hbm>>
    tpu.enqueue_indirect_dma source(%dma_start3A_3 : memref<4096xi32, #tpu.memory_space<hbm>>) target(%arg8 : memref<128xi32, #tpu.memory_space<vmem>>) offsets(%arg7 : memref<128xi32, #tpu.memory_space<vmem>>) semaphore(%arg12 : memref<!tpu.dma_semaphore, #tpu.memory_space<semaphore_mem>>)
    %dma_wait3A = arith.constant 0 : i32
    %dma_wait3A_4 = tpu.memref_slice %arg3[%dma_wait3A] : memref<4096xi32, #tpu.memory_space<hbm>> -> memref<4096xi32, #tpu.memory_space<hbm>>
    tpu.wait_indirect_dma semaphore(%arg12 : memref<!tpu.dma_semaphore, #tpu.memory_space<semaphore_mem>>) src(%dma_wait3A_4 : memref<4096xi32, #tpu.memory_space<hbm>>) dst(%arg8 : memref<128xi32, #tpu.memory_space<vmem>>)
    %get3A = arith.constant 0 : index
    %get3A_5 = tpu.vector_load %arg7[%get3A] {strides = array<i32>} : memref<128xi32, #tpu.memory_space<vmem>>, vector<16xi32>,
    %get3A_6 = vector.shape_cast %get3A_5 : vector<16xi32> to vector<16xi32>
    %get3A_7 = arith.constant 0 : index
    %get3A_8 = tpu.vector_load %arg8[%get3A_7] {strides = array<i32>} : memref<128xi32, #tpu.memory_space<vmem>>, vector<16xi32>,
    %get3A_9 = vector.shape_cast %get3A_8 : vector<16xi32> to vector<16xi32>
    %iota3A = tpu.iota {dimensions = array<i32: 0>} : vector<16xi32>
    %add3A_10 = arith.constant 0 : i32
    %add3A_11 = arith.addi %mul3A_2, %add3A_10 : i32
    %add3A_12 = vector.broadcast %add3A_11 : i32 to vector<16xi32>
    %add3A_13 = arith.addi %iota3A, %add3A_12 : vector<16xi32>
    %eq3A = arith.cmpi eq, %get3A_9, %add3A_13 : vector<16xi32>
    %jit3A = arith.constant -1 : i32
    %broadcast_in_dim3A = vector.broadcast %jit3A : i32 to vector<16xi32>
    %select_n3A = arith.select %eq3A, %get3A_6, %broadcast_in_dim3A : vector<16xi1>, vector<16xi32>
    %swap3A = arith.constant 0 : index
    %swap3A_14 = tpu.vector_load %arg10[%swap3A] {strides = array<i32>} : memref<128xi32, #tpu.memory_space<vmem>>, vector<16xi32>,
    %swap3A_15 = vector.shape_cast %swap3A_14 : vector<16xi32> to vector<16xi32>
    %swap3A_16 = vector.shape_cast %select_n3A : vector<16xi32> to vector<16xi32>
    tpu.vector_store %arg10[%swap3A], %swap3A_16 {strides = array<i32>} : memref<128xi32, #tpu.memory_space<vmem>>, vector<16xi32>,
    %get3A_17 = arith.constant 0 : index
    %get3A_18 = tpu.vector_load %arg9[%get3A_17] {strides = array<i32>} : memref<128xf32, #tpu.memory_space<vmem>>, vector<16xf32>,
    %get3A_19 = vector.shape_cast %get3A_18 : vector<16xf32> to vector<16xf32>
    %jit3A_20 = arith.constant -1.000000e+00 : f32
    %broadcast_in_dim3A_21 = vector.broadcast %jit3A_20 : f32 to vector<16xf32>
    %select_n3A_22 = arith.select %eq3A, %get3A_19, %broadcast_in_dim3A_21 : vector<16xi1>, vector<16xf32>
    %swap3A_23 = arith.constant 0 : index
    %swap3A_24 = tpu.vector_load %arg11[%swap3A_23] {strides = array<i32>} : memref<128xf32, #tpu.memory_space<vmem>>, vector<16xf32>,
    %swap3A_25 = vector.shape_cast %swap3A_24 : vector<16xf32> to vector<16xf32>
    %swap3A_26 = vector.shape_cast %select_n3A_22 : vector<16xf32> to vector<16xf32>
    tpu.vector_store %arg11[%swap3A_23], %swap3A_26 {strides = array<i32>} : memref<128xf32, #tpu.memory_space<vmem>>, vector<16xf32>,
    %get3A_27 = arith.constant 16 : index
    %get3A_28 = tpu.vector_load %arg7[%get3A_27] {strides = array<i32>} : memref<128xi32, #tpu.memory_space<vmem>>, vector<16xi32>,
    %get3A_29 = vector.shape_cast %get3A_28 : vector<16xi32> to vector<16xi32>
    %get3A_30 = arith.constant 16 : index
    %get3A_31 = tpu.vector_load %arg8[%get3A_30] {strides = array<i32>} : memref<128xi32, #tpu.memory_space<vmem>>, vector<16xi32>,
    %get3A_32 = vector.shape_cast %get3A_31 : vector<16xi32> to vector<16xi32>
    %iota3A_33 = tpu.iota {dimensions = array<i32: 0>} : vector<16xi32>
    %add3A_34 = arith.constant 16 : i32
    %add3A_35 = arith.addi %mul3A_2, %add3A_34 : i32
    %add3A_36 = vector.broadcast %add3A_35 : i32 to vector<16xi32>
    %add3A_37 = arith.addi %iota3A_33, %add3A_36 : vector<16xi32>
    %eq3A_38 = arith.cmpi eq, %get3A_32, %add3A_37 : vector<16xi32>
    %jit3A_39 = arith.constant -1 : i32
    %broadcast_in_dim3A_40 = vector.broadcast %jit3A_39 : i32 to vector<16xi32>
    %select_n3A_41 = arith.select %eq3A_38, %get3A_29, %broadcast_in_dim3A_40 : vector<16xi1>, vector<16xi32>
    %swap3A_42 = arith.constant 16 : index
    %swap3A_43 = tpu.vector_load %arg10[%swap3A_42] {strides = array<i32>} : memref<128xi32, #tpu.memory_space<vmem>>, vector<16xi32>,
    %swap3A_44 = vector.shape_cast %swap3A_43 : vector<16xi32> to vector<16xi32>
    %swap3A_45 = vector.shape_cast %select_n3A_41 : vector<16xi32> to vector<16xi32>
    tpu.vector_store %arg10[%swap3A_42], %swap3A_45 {strides = array<i32>} : memref<128xi32, #tpu.memory_space<vmem>>, vector<16xi32>,
    %get3A_46 = arith.constant 16 : index
    %get3A_47 = tpu.vector_load %arg9[%get3A_46] {strides = array<i32>} : memref<128xf32, #tpu.memory_space<vmem>>, vector<16xf32>,
    %get3A_48 = vector.shape_cast %get3A_47 : vector<16xf32> to vector<16xf32>
    %jit3A_49 = arith.constant -1.000000e+00 : f32
    %broadcast_in_dim3A_50 = vector.broadcast %jit3A_49 : f32 to vector<16xf32>
    %select_n3A_51 = arith.select %eq3A_38, %get3A_48, %broadcast_in_dim3A_50 : vector<16xi1>, vector<16xf32>
    %swap3A_52 = arith.constant 16 : index
    %swap3A_53 = tpu.vector_load %arg11[%swap3A_52] {strides = array<i32>} : memref<128xf32, #tpu.memory_space<vmem>>, vector<16xf32>,
    %swap3A_54 = vector.shape_cast %swap3A_53 : vector<16xf32> to vector<16xf32>
    %swap3A_55 = vector.shape_cast %select_n3A_51 : vector<16xf32> to vector<16xf32>
    tpu.vector_store %arg11[%swap3A_52], %swap3A_55 {strides = array<i32>} : memref<128xf32, #tpu.memory_space<vmem>>, vector<16xf32>,
    %get3A_56 = arith.constant 32 : index
    %get3A_57 = tpu.vector_load %arg7[%get3A_56] {strides = array<i32>} : memref<128xi32, #tpu.memory_space<vmem>>, vector<16xi32>,
    %get3A_58 = vector.shape_cast %get3A_57 : vector<16xi32> to vector<16xi32>
    %get3A_59 = arith.constant 32 : index
    %get3A_60 = tpu.vector_load %arg8[%get3A_59] {strides = array<i32>} : memref<128xi32, #tpu.memory_space<vmem>>, vector<16xi32>,
    %get3A_61 = vector.shape_cast %get3A_60 : vector<16xi32> to vector<16xi32>
    %iota3A_62 = tpu.iota {dimensions = array<i32: 0>} : vector<16xi32>
    %add3A_63 = arith.constant 32 : i32
    %add3A_64 = arith.addi %mul3A_2, %add3A_63 : i32
    %add3A_65 = vector.broadcast %add3A_64 : i32 to vector<16xi32>
    %add3A_66 = arith.addi %iota3A_62, %add3A_65 : vector<16xi32>
    %eq3A_67 = arith.cmpi eq, %get3A_61, %add3A_66 : vector<16xi32>
    %jit3A_68 = arith.constant -1 : i32
    %broadcast_in_dim3A_69 = vector.broadcast %jit3A_68 : i32 to vector<16xi32>
    %select_n3A_70 = arith.select %eq3A_67, %get3A_58, %broadcast_in_dim3A_69 : vector<16xi1>, vector<16xi32>
    %swap3A_71 = arith.constant 32 : index
    %swap3A_72 = tpu.vector_load %arg10[%swap3A_71] {strides = array<i32>} : memref<128xi32, #tpu.memory_space<vmem>>, vector<16xi32>,
    %swap3A_73 = vector.shape_cast %swap3A_72 : vector<16xi32> to vector<16xi32>
    %swap3A_74 = vector.shape_cast %select_n3A_70 : vector<16xi32> to vector<16xi32>
    tpu.vector_store %arg10[%swap3A_71], %swap3A_74 {strides = array<i32>} : memref<128xi32, #tpu.memory_space<vmem>>, vector<16xi32>,
    %get3A_75 = arith.constant 32 : index
    %get3A_76 = tpu.vector_load %arg9[%get3A_75] {strides = array<i32>} : memref<128xf32, #tpu.memory_space<vmem>>, vector<16xf32>,
    %get3A_77 = vector.shape_cast %get3A_76 : vector<16xf32> to vector<16xf32>
    %jit3A_78 = arith.constant -1.000000e+00 : f32
    %broadcast_in_dim3A_79 = vector.broadcast %jit3A_78 : f32 to vector<16xf32>
    %select_n3A_80 = arith.select %eq3A_67, %get3A_77, %broadcast_in_dim3A_79 : vector<16xi1>, vector<16xf32>
    %swap3A_81 = arith.constant 32 : index
    %swap3A_82 = tpu.vector_load %arg11[%swap3A_81] {strides = array<i32>} : memref<128xf32, #tpu.memory_space<vmem>>, vector<16xf32>,
    %swap3A_83 = vector.shape_cast %swap3A_82 : vector<16xf32> to vector<16xf32>
    %swap3A_84 = vector.shape_cast %select_n3A_80 : vector<16xf32> to vector<16xf32>
    tpu.vector_store %arg11[%swap3A_81], %swap3A_84 {strides = array<i32>} : memref<128xf32, #tpu.memory_space<vmem>>, vector<16xf32>,
    %get3A_85 = arith.constant 48 : index
    %get3A_86 = tpu.vector_load %arg7[%get3A_85] {strides = array<i32>} : memref<128xi32, #tpu.memory_space<vmem>>, vector<16xi32>,
    %get3A_87 = vector.shape_cast %get3A_86 : vector<16xi32> to vector<16xi32>
    %get3A_88 = arith.constant 48 : index
    %get3A_89 = tpu.vector_load %arg8[%get3A_88] {strides = array<i32>} : memref<128xi32, #tpu.memory_space<vmem>>, vector<16xi32>,
    %get3A_90 = vector.shape_cast %get3A_89 : vector<16xi32> to vector<16xi32>
    %iota3A_91 = tpu.iota {dimensions = array<i32: 0>} : vector<16xi32>
    %add3A_92 = arith.constant 48 : i32
    %add3A_93 = arith.addi %mul3A_2, %add3A_92 : i32
    %add3A_94 = vector.broadcast %add3A_93 : i32 to vector<16xi32>
    %add3A_95 = arith.addi %iota3A_91, %add3A_94 : vector<16xi32>
    %eq3A_96 = arith.cmpi eq, %get3A_90, %add3A_95 : vector<16xi32>
    %jit3A_97 = arith.constant -1 : i32
    %broadcast_in_dim3A_98 = vector.broadcast %jit3A_97 : i32 to vector<16xi32>
    %select_n3A_99 = arith.select %eq3A_96, %get3A_87, %broadcast_in_dim3A_98 : vector<16xi1>, vector<16xi32>
    %swap3A_100 = arith.constant 48 : index
    %swap3A_101 = tpu.vector_load %arg10[%swap3A_100] {strides = array<i32>} : memref<128xi32, #tpu.memory_space<vmem>>, vector<16xi32>,
    %swap3A_102 = vector.shape_cast %swap3A_101 : vector<16xi32> to vector<16xi32>
    %swap3A_103 = vector.shape_cast %select_n3A_99 : vector<16xi32> to vector<16xi32>
    tpu.vector_store %arg10[%swap3A_100], %swap3A_103 {strides = array<i32>} : memref<128xi32, #tpu.memory_space<vmem>>, vector<16xi32>,
    %get3A_104 = arith.constant 48 : index
    %get3A_105 = tpu.vector_load %arg9[%get3A_104] {strides = array<i32>} : memref<128xf32, #tpu.memory_space<vmem>>, vector<16xf32>,
    %get3A_106 = vector.shape_cast %get3A_105 : vector<16xf32> to vector<16xf32>
    %jit3A_107 = arith.constant -1.000000e+00 : f32
    %broadcast_in_dim3A_108 = vector.broadcast %jit3A_107 : f32 to vector<16xf32>
    %select_n3A_109 = arith.select %eq3A_96, %get3A_106, %broadcast_in_dim3A_108 : vector<16xi1>, vector<16xf32>
    %swap3A_110 = arith.constant 48 : index
    %swap3A_111 = tpu.vector_load %arg11[%swap3A_110] {strides = array<i32>} : memref<128xf32, #tpu.memory_space<vmem>>, vector<16xf32>,
    %swap3A_112 = vector.shape_cast %swap3A_111 : vector<16xf32> to vector<16xf32>
    %swap3A_113 = vector.shape_cast %select_n3A_109 : vector<16xf32> to vector<16xf32>
    tpu.vector_store %arg11[%swap3A_110], %swap3A_113 {strides = array<i32>} : memref<128xf32, #tpu.memory_space<vmem>>, vector<16xf32>,
    %get3A_114 = arith.constant 64 : index
    %get3A_115 = tpu.vector_load %arg7[%get3A_114] {strides = array<i32>} : memref<128xi32, #tpu.memory_space<vmem>>, vector<16xi32>,
    %get3A_116 = vector.shape_cast %get3A_115 : vector<16xi32> to vector<16xi32>
    %get3A_117 = arith.constant 64 : index
    %get3A_118 = tpu.vector_load %arg8[%get3A_117] {strides = array<i32>} : memref<128xi32, #tpu.memory_space<vmem>>, vector<16xi32>,
    %get3A_119 = vector.shape_cast %get3A_118 : vector<16xi32> to vector<16xi32>
    %iota3A_120 = tpu.iota {dimensions = array<i32: 0>} : vector<16xi32>
    %add3A_121 = arith.constant 64 : i32
    %add3A_122 = arith.addi %mul3A_2, %add3A_121 : i32
    %add3A_123 = vector.broadcast %add3A_122 : i32 to vector<16xi32>
    %add3A_124 = arith.addi %iota3A_120, %add3A_123 : vector<16xi32>
    %eq3A_125 = arith.cmpi eq, %get3A_119, %add3A_124 : vector<16xi32>
    %jit3A_126 = arith.constant -1 : i32
    %broadcast_in_dim3A_127 = vector.broadcast %jit3A_126 : i32 to vector<16xi32>
    %select_n3A_128 = arith.select %eq3A_125, %get3A_116, %broadcast_in_dim3A_127 : vector<16xi1>, vector<16xi32>
    %swap3A_129 = arith.constant 64 : index
    %swap3A_130 = tpu.vector_load %arg10[%swap3A_129] {strides = array<i32>} : memref<128xi32, #tpu.memory_space<vmem>>, vector<16xi32>,
    %swap3A_131 = vector.shape_cast %swap3A_130 : vector<16xi32> to vector<16xi32>
    %swap3A_132 = vector.shape_cast %select_n3A_128 : vector<16xi32> to vector<16xi32>
    tpu.vector_store %arg10[%swap3A_129], %swap3A_132 {strides = array<i32>} : memref<128xi32, #tpu.memory_space<vmem>>, vector<16xi32>,
    %get3A_133 = arith.constant 64 : index
    %get3A_134 = tpu.vector_load %arg9[%get3A_133] {strides = array<i32>} : memref<128xf32, #tpu.memory_space<vmem>>, vector<16xf32>,
    %get3A_135 = vector.shape_cast %get3A_134 : vector<16xf32> to vector<16xf32>
    %jit3A_136 = arith.constant -1.000000e+00 : f32
    %broadcast_in_dim3A_137 = vector.broadcast %jit3A_136 : f32 to vector<16xf32>
    %select_n3A_138 = arith.select %eq3A_125, %get3A_135, %broadcast_in_dim3A_137 : vector<16xi1>, vector<16xf32>
    %swap3A_139 = arith.constant 64 : index
    %swap3A_140 = tpu.vector_load %arg11[%swap3A_139] {strides = array<i32>} : memref<128xf32, #tpu.memory_space<vmem>>, vector<16xf32>,
    %swap3A_141 = vector.shape_cast %swap3A_140 : vector<16xf32> to vector<16xf32>
    %swap3A_142 = vector.shape_cast %select_n3A_138 : vector<16xf32> to vector<16xf32>
    tpu.vector_store %arg11[%swap3A_139], %swap3A_142 {strides = array<i32>} : memref<128xf32, #tpu.memory_space<vmem>>, vector<16xf32>,
    %get3A_143 = arith.constant 80 : index
    %get3A_144 = tpu.vector_load %arg7[%get3A_143] {strides = array<i32>} : memref<128xi32, #tpu.memory_space<vmem>>, vector<16xi32>,
    %get3A_145 = vector.shape_cast %get3A_144 : vector<16xi32> to vector<16xi32>
    %get3A_146 = arith.constant 80 : index
    %get3A_147 = tpu.vector_load %arg8[%get3A_146] {strides = array<i32>} : memref<128xi32, #tpu.memory_space<vmem>>, vector<16xi32>,
    %get3A_148 = vector.shape_cast %get3A_147 : vector<16xi32> to vector<16xi32>
    %iota3A_149 = tpu.iota {dimensions = array<i32: 0>} : vector<16xi32>
    %add3A_150 = arith.constant 80 : i32
    %add3A_151 = arith.addi %mul3A_2, %add3A_150 : i32
    %add3A_152 = vector.broadcast %add3A_151 : i32 to vector<16xi32>
    %add3A_153 = arith.addi %iota3A_149, %add3A_152 : vector<16xi32>
    %eq3A_154 = arith.cmpi eq, %get3A_148, %add3A_153 : vector<16xi32>
    %jit3A_155 = arith.constant -1 : i32
    %broadcast_in_dim3A_156 = vector.broadcast %jit3A_155 : i32 to vector<16xi32>
    %select_n3A_157 = arith.select %eq3A_154, %get3A_145, %broadcast_in_dim3A_156 : vector<16xi1>, vector<16xi32>
    %swap3A_158 = arith.constant 80 : index
    %swap3A_159 = tpu.vector_load %arg10[%swap3A_158] {strides = array<i32>} : memref<128xi32, #tpu.memory_space<vmem>>, vector<16xi32>,
    %swap3A_160 = vector.shape_cast %swap3A_159 : vector<16xi32> to vector<16xi32>
    %swap3A_161 = vector.shape_cast %select_n3A_157 : vector<16xi32> to vector<16xi32>
    tpu.vector_store %arg10[%swap3A_158], %swap3A_161 {strides = array<i32>} : memref<128xi32, #tpu.memory_space<vmem>>, vector<16xi32>,
    %get3A_162 = arith.constant 80 : index
    %get3A_163 = tpu.vector_load %arg9[%get3A_162] {strides = array<i32>} : memref<128xf32, #tpu.memory_space<vmem>>, vector<16xf32>,
    %get3A_164 = vector.shape_cast %get3A_163 : vector<16xf32> to vector<16xf32>
    %jit3A_165 = arith.constant -1.000000e+00 : f32
    %broadcast_in_dim3A_166 = vector.broadcast %jit3A_165 : f32 to vector<16xf32>
    %select_n3A_167 = arith.select %eq3A_154, %get3A_164, %broadcast_in_dim3A_166 : vector<16xi1>, vector<16xf32>
    %swap3A_168 = arith.constant 80 : index
    %swap3A_169 = tpu.vector_load %arg11[%swap3A_168] {strides = array<i32>} : memref<128xf32, #tpu.memory_space<vmem>>, vector<16xf32>,
    %swap3A_170 = vector.shape_cast %swap3A_169 : vector<16xf32> to vector<16xf32>
    %swap3A_171 = vector.shape_cast %select_n3A_167 : vector<16xf32> to vector<16xf32>
    tpu.vector_store %arg11[%swap3A_168], %swap3A_171 {strides = array<i32>} : memref<128xf32, #tpu.memory_space<vmem>>, vector<16xf32>,
    %get3A_172 = arith.constant 96 : index
    %get3A_173 = tpu.vector_load %arg7[%get3A_172] {strides = array<i32>} : memref<128xi32, #tpu.memory_space<vmem>>, vector<16xi32>,
    %get3A_174 = vector.shape_cast %get3A_173 : vector<16xi32> to vector<16xi32>
    %get3A_175 = arith.constant 96 : index
    %get3A_176 = tpu.vector_load %arg8[%get3A_175] {strides = array<i32>} : memref<128xi32, #tpu.memory_space<vmem>>, vector<16xi32>,
    %get3A_177 = vector.shape_cast %get3A_176 : vector<16xi32> to vector<16xi32>
    %iota3A_178 = tpu.iota {dimensions = array<i32: 0>} : vector<16xi32>
    %add3A_179 = arith.constant 96 : i32
    %add3A_180 = arith.addi %mul3A_2, %add3A_179 : i32
    %add3A_181 = vector.broadcast %add3A_180 : i32 to vector<16xi32>
    %add3A_182 = arith.addi %iota3A_178, %add3A_181 : vector<16xi32>
    %eq3A_183 = arith.cmpi eq, %get3A_177, %add3A_182 : vector<16xi32>
    %jit3A_184 = arith.constant -1 : i32
    %broadcast_in_dim3A_185 = vector.broadcast %jit3A_184 : i32 to vector<16xi32>
    %select_n3A_186 = arith.select %eq3A_183, %get3A_174, %broadcast_in_dim3A_185 : vector<16xi1>, vector<16xi32>
    %swap3A_187 = arith.constant 96 : index
    %swap3A_188 = tpu.vector_load %arg10[%swap3A_187] {strides = array<i32>} : memref<128xi32, #tpu.memory_space<vmem>>, vector<16xi32>,
    %swap3A_189 = vector.shape_cast %swap3A_188 : vector<16xi32> to vector<16xi32>
    %swap3A_190 = vector.shape_cast %select_n3A_186 : vector<16xi32> to vector<16xi32>
    tpu.vector_store %arg10[%swap3A_187], %swap3A_190 {strides = array<i32>} : memref<128xi32, #tpu.memory_space<vmem>>, vector<16xi32>,
    %get3A_191 = arith.constant 96 : index
    %get3A_192 = tpu.vector_load %arg9[%get3A_191] {strides = array<i32>} : memref<128xf32, #tpu.memory_space<vmem>>, vector<16xf32>,
    %get3A_193 = vector.shape_cast %get3A_192 : vector<16xf32> to vector<16xf32>
    %jit3A_194 = arith.constant -1.000000e+00 : f32
    %broadcast_in_dim3A_195 = vector.broadcast %jit3A_194 : f32 to vector<16xf32>
    %select_n3A_196 = arith.select %eq3A_183, %get3A_193, %broadcast_in_dim3A_195 : vector<16xi1>, vector<16xf32>
    %swap3A_197 = arith.constant 96 : index
    %swap3A_198 = tpu.vector_load %arg11[%swap3A_197] {strides = array<i32>} : memref<128xf32, #tpu.memory_space<vmem>>, vector<16xf32>,
    %swap3A_199 = vector.shape_cast %swap3A_198 : vector<16xf32> to vector<16xf32>
    %swap3A_200 = vector.shape_cast %select_n3A_196 : vector<16xf32> to vector<16xf32>
    tpu.vector_store %arg11[%swap3A_197], %swap3A_200 {strides = array<i32>} : memref<128xf32, #tpu.memory_space<vmem>>, vector<16xf32>,
    %get3A_201 = arith.constant 112 : index
    %get3A_202 = tpu.vector_load %arg7[%get3A_201] {strides = array<i32>} : memref<128xi32, #tpu.memory_space<vmem>>, vector<16xi32>,
    %get3A_203 = vector.shape_cast %get3A_202 : vector<16xi32> to vector<16xi32>
    %get3A_204 = arith.constant 112 : index
    %get3A_205 = tpu.vector_load %arg8[%get3A_204] {strides = array<i32>} : memref<128xi32, #tpu.memory_space<vmem>>, vector<16xi32>,
    %get3A_206 = vector.shape_cast %get3A_205 : vector<16xi32> to vector<16xi32>
    %iota3A_207 = tpu.iota {dimensions = array<i32: 0>} : vector<16xi32>
    %add3A_208 = arith.constant 112 : i32
    %add3A_209 = arith.addi %mul3A_2, %add3A_208 : i32
    %add3A_210 = vector.broadcast %add3A_209 : i32 to vector<16xi32>
    %add3A_211 = arith.addi %iota3A_207, %add3A_210 : vector<16xi32>
    %eq3A_212 = arith.cmpi eq, %get3A_206, %add3A_211 : vector<16xi32>
    %jit3A_213 = arith.constant -1 : i32
    %broadcast_in_dim3A_214 = vector.broadcast %jit3A_213 : i32 to vector<16xi32>
    %select_n3A_215 = arith.select %eq3A_212, %get3A_203, %broadcast_in_dim3A_214 : vector<16xi1>, vector<16xi32>
    %swap3A_216 = arith.constant 112 : index
    %swap3A_217 = tpu.vector_load %arg10[%swap3A_216] {strides = array<i32>} : memref<128xi32, #tpu.memory_space<vmem>>, vector<16xi32>,
    %swap3A_218 = vector.shape_cast %swap3A_217 : vector<16xi32> to vector<16xi32>
    %swap3A_219 = vector.shape_cast %select_n3A_215 : vector<16xi32> to vector<16xi32>
    tpu.vector_store %arg10[%swap3A_216], %swap3A_219 {strides = array<i32>} : memref<128xi32, #tpu.memory_space<vmem>>, vector<16xi32>,
    %get3A_220 = arith.constant 112 : index
    %get3A_221 = tpu.vector_load %arg9[%get3A_220] {strides = array<i32>} : memref<128xf32, #tpu.memory_space<vmem>>, vector<16xf32>,
    %get3A_222 = vector.shape_cast %get3A_221 : vector<16xf32> to vector<16xf32>
    %jit3A_223 = arith.constant -1.000000e+00 : f32
    %broadcast_in_dim3A_224 = vector.broadcast %jit3A_223 : f32 to vector<16xf32>
    %select_n3A_225 = arith.select %eq3A_212, %get3A_222, %broadcast_in_dim3A_224 : vector<16xi1>, vector<16xf32>
    %swap3A_226 = arith.constant 112 : index
    %swap3A_227 = tpu.vector_load %arg11[%swap3A_226] {strides = array<i32>} : memref<128xf32, #tpu.memory_space<vmem>>, vector<16xf32>,
    %swap3A_228 = vector.shape_cast %swap3A_227 : vector<16xf32> to vector<16xf32>
    %swap3A_229 = vector.shape_cast %select_n3A_225 : vector<16xf32> to vector<16xf32>
    tpu.vector_store %arg11[%swap3A_226], %swap3A_229 {strides = array<i32>} : memref<128xf32, #tpu.memory_space<vmem>>, vector<16xf32>,
    "tpu.region"() ({
      %run_scoped3A = tpu.sem_alloc : memref<!tpu.dma_semaphore, #tpu.memory_space<semaphore_mem>>
      %dma_start3A_230 = tpu.memref_slice %arg5[%mul3A_2] : memref<4096xi32, #tpu.memory_space<hbm>> -> memref<128xi32, #tpu.memory_space<hbm>>
      %dma_start3A_231 = tpu.memref_slice %arg5[%mul3A_2] : memref<4096xi32, #tpu.memory_space<hbm>> -> memref<128xi32, #tpu.memory_space<hbm>>
      tpu.enqueue_dma source(%arg10 : memref<128xi32, #tpu.memory_space<vmem>>) target(%dma_start3A_231 : memref<128xi32, #tpu.memory_space<hbm>>) target_semaphore(%run_scoped3A : memref<!tpu.dma_semaphore, #tpu.memory_space<semaphore_mem>>)
      %dma_wait3A_232 = tpu.memref_slice %arg5[%mul3A_2] : memref<4096xi32, #tpu.memory_space<hbm>> -> memref<128xi32, #tpu.memory_space<hbm>>
      %dma_wait3A_233 = tpu.memref_slice %arg5[%mul3A_2] : memref<4096xi32, #tpu.memory_space<hbm>> -> memref<128xi32, #tpu.memory_space<hbm>>
      tpu.wait_dma2 semaphore(%run_scoped3A : memref<!tpu.dma_semaphore, #tpu.memory_space<semaphore_mem>>) src(%arg10 : memref<128xi32, #tpu.memory_space<vmem>>) dst(%dma_wait3A_233 : memref<128xi32, #tpu.memory_space<hbm>>)
      tpu.yield
    }) : () -> ()
    "tpu.region"() ({
      %run_scoped3A = tpu.sem_alloc : memref<!tpu.dma_semaphore, #tpu.memory_space<semaphore_mem>>
      %dma_start3A_230 = tpu.memref_slice %arg6[%mul3A_2] : memref<4096xf32, #tpu.memory_space<hbm>> -> memref<128xf32, #tpu.memory_space<hbm>>
      %dma_start3A_231 = tpu.memref_slice %arg6[%mul3A_2] : memref<4096xf32, #tpu.memory_space<hbm>> -> memref<128xf32, #tpu.memory_space<hbm>>
      tpu.enqueue_dma source(%arg11 : memref<128xf32, #tpu.memory_space<vmem>>) target(%dma_start3A_231 : memref<128xf32, #tpu.memory_space<hbm>>) target_semaphore(%run_scoped3A : memref<!tpu.dma_semaphore, #tpu.memory_space<semaphore_mem>>)
      %dma_wait3A_232 = tpu.memref_slice %arg6[%mul3A_2] : memref<4096xf32, #tpu.memory_space<hbm>> -> memref<128xf32, #tpu.memory_space<hbm>>
      %dma_wait3A_233 = tpu.memref_slice %arg6[%mul3A_2] : memref<4096xf32, #tpu.memory_space<hbm>> -> memref<128xf32, #tpu.memory_space<hbm>>
      tpu.wait_dma2 semaphore(%run_scoped3A : memref<!tpu.dma_semaphore, #tpu.memory_space<semaphore_mem>>) src(%arg11 : memref<128xf32, #tpu.memory_space<vmem>>) dst(%dma_wait3A_233 : memref<128xf32, #tpu.memory_space<hbm>>)
      tpu.yield
    }) : () -> ()
    return
  }
}

module attributes {stable_mosaic.version = 14 : i64} {
  func.func @_stage1_body(%arg0: i32, %arg1: memref<256x256xf32, #tpu.memory_space<vmem>>, %arg2: memref<256x4096xf32, #tpu.memory_space<vmem>>, %arg3: memref<256x1xi32, #tpu.memory_space<vmem>>, %arg4: memref<256x1xf32, #tpu.memory_space<vmem>>, %arg5: memref<1x4096xi32, #tpu.memory_space<vmem>>, %arg6: memref<1x4096xf32, #tpu.memory_space<vmem>>) attributes {dimension_semantics = [#tpu.dimension_semantics<arbitrary>], iteration_bounds = array<i64: 16>, scalar_prefetch = 0 : i64, scratch_operands = 1 : i64, tpu.core_type = #tpu.core_type<tc>, window_params = [{transform_indices = @transform_0, window_bounds = array<i64: 256, 256>}, {pipeline_mode = #tpu.pipeline_mode<synchronous>, transform_indices = @transform_1, window_bounds = array<i64: 256, 4096>}, {transform_indices = @transform_2, window_bounds = array<i64: 256, 1>}, {transform_indices = @transform_3, window_bounds = array<i64: 256, 1>}, {pipeline_mode = #tpu.pipeline_mode<synchronous>, transform_indices = @transform_4, window_bounds = array<i64: 1, 4096>}]} {
    %get3A = arith.constant 0 : index
    %get3A_0 = arith.constant 0 : index
    %get3A_1 = vector.load %arg1[%get3A, %get3A_0] : memref<256x256xf32, #tpu.memory_space<vmem>>, vector<256x256xf32>
    %get3A_2 = arith.constant 0 : index
    %get3A_3 = arith.constant 0 : index
    %get3A_4 = vector.load %arg2[%get3A_2, %get3A_3] : memref<256x4096xf32, #tpu.memory_space<vmem>>, vector<256x4096xf32>
    %dot_general3A = arith.constant dense<0.000000e+00> : vector<256x4096xf32>
    %dot_general3A_5 = tpu.matmul %get3A_1, %get3A_4, %dot_general3A {dimension_numbers = #tpu.dot_dimension_numbers<[0], [0], [1], [1], [0, 1, 1, 1], [], []>, transpose_lhs_hint = false} : vector<256x256xf32>, vector<256x4096xf32>, vector<256x4096xf32> -> vector<256x4096xf32>
    %slice3A = vector.extract_strided_slice %dot_general3A_5 {offsets = [0, 0], sizes = [256, 128], strides = [1, 1]} : vector<256x4096xf32> to vector<256x128xf32>
    %broadcast_in_dim3A = arith.constant 0 : i32
    %broadcast_in_dim3A_6 = vector.broadcast %broadcast_in_dim3A : i32 to vector<256x128xi32>
    %slice3A_7 = vector.extract_strided_slice %dot_general3A_5 {offsets = [0, 128], sizes = [256, 128], strides = [1, 1]} : vector<256x4096xf32> to vector<256x128xf32>
    %gt3A = arith.cmpf ogt, %slice3A_7, %slice3A : vector<256x128xf32>
    %select_n3A = arith.select %gt3A, %slice3A_7, %slice3A : vector<256x128xi1>, vector<256x128xf32>
    %jit3A = arith.constant 1 : i32
    %broadcast_in_dim3A_8 = vector.broadcast %jit3A : i32 to vector<256x128xi32>
    %select_n3A_9 = arith.select %gt3A, %broadcast_in_dim3A_8, %broadcast_in_dim3A_6 : vector<256x128xi1>, vector<256x128xi32>
    %slice3A_10 = vector.extract_strided_slice %dot_general3A_5 {offsets = [0, 256], sizes = [256, 128], strides = [1, 1]} : vector<256x4096xf32> to vector<256x128xf32>
    %gt3A_11 = arith.cmpf ogt, %slice3A_10, %select_n3A : vector<256x128xf32>
    %select_n3A_12 = arith.select %gt3A_11, %slice3A_10, %select_n3A : vector<256x128xi1>, vector<256x128xf32>
    %jit3A_13 = arith.constant 2 : i32
    %broadcast_in_dim3A_14 = vector.broadcast %jit3A_13 : i32 to vector<256x128xi32>
    %select_n3A_15 = arith.select %gt3A_11, %broadcast_in_dim3A_14, %select_n3A_9 : vector<256x128xi1>, vector<256x128xi32>
    %slice3A_16 = vector.extract_strided_slice %dot_general3A_5 {offsets = [0, 384], sizes = [256, 128], strides = [1, 1]} : vector<256x4096xf32> to vector<256x128xf32>
    %gt3A_17 = arith.cmpf ogt, %slice3A_16, %select_n3A_12 : vector<256x128xf32>
    %select_n3A_18 = arith.select %gt3A_17, %slice3A_16, %select_n3A_12 : vector<256x128xi1>, vector<256x128xf32>
    %jit3A_19 = arith.constant 3 : i32
    %broadcast_in_dim3A_20 = vector.broadcast %jit3A_19 : i32 to vector<256x128xi32>
    %select_n3A_21 = arith.select %gt3A_17, %broadcast_in_dim3A_20, %select_n3A_15 : vector<256x128xi1>, vector<256x128xi32>
    %slice3A_22 = vector.extract_strided_slice %dot_general3A_5 {offsets = [0, 512], sizes = [256, 128], strides = [1, 1]} : vector<256x4096xf32> to vector<256x128xf32>
    %gt3A_23 = arith.cmpf ogt, %slice3A_22, %select_n3A_18 : vector<256x128xf32>
    %select_n3A_24 = arith.select %gt3A_23, %slice3A_22, %select_n3A_18 : vector<256x128xi1>, vector<256x128xf32>
    %jit3A_25 = arith.constant 4 : i32
    %broadcast_in_dim3A_26 = vector.broadcast %jit3A_25 : i32 to vector<256x128xi32>
    %select_n3A_27 = arith.select %gt3A_23, %broadcast_in_dim3A_26, %select_n3A_21 : vector<256x128xi1>, vector<256x128xi32>
    %slice3A_28 = vector.extract_strided_slice %dot_general3A_5 {offsets = [0, 640], sizes = [256, 128], strides = [1, 1]} : vector<256x4096xf32> to vector<256x128xf32>
    %gt3A_29 = arith.cmpf ogt, %slice3A_28, %select_n3A_24 : vector<256x128xf32>
    %select_n3A_30 = arith.select %gt3A_29, %slice3A_28, %select_n3A_24 : vector<256x128xi1>, vector<256x128xf32>
    %jit3A_31 = arith.constant 5 : i32
    %broadcast_in_dim3A_32 = vector.broadcast %jit3A_31 : i32 to vector<256x128xi32>
    %select_n3A_33 = arith.select %gt3A_29, %broadcast_in_dim3A_32, %select_n3A_27 : vector<256x128xi1>, vector<256x128xi32>
    %slice3A_34 = vector.extract_strided_slice %dot_general3A_5 {offsets = [0, 768], sizes = [256, 128], strides = [1, 1]} : vector<256x4096xf32> to vector<256x128xf32>
    %gt3A_35 = arith.cmpf ogt, %slice3A_34, %select_n3A_30 : vector<256x128xf32>
    %select_n3A_36 = arith.select %gt3A_35, %slice3A_34, %select_n3A_30 : vector<256x128xi1>, vector<256x128xf32>
    %jit3A_37 = arith.constant 6 : i32
    %broadcast_in_dim3A_38 = vector.broadcast %jit3A_37 : i32 to vector<256x128xi32>
    %select_n3A_39 = arith.select %gt3A_35, %broadcast_in_dim3A_38, %select_n3A_33 : vector<256x128xi1>, vector<256x128xi32>
    %slice3A_40 = vector.extract_strided_slice %dot_general3A_5 {offsets = [0, 896], sizes = [256, 128], strides = [1, 1]} : vector<256x4096xf32> to vector<256x128xf32>
    %gt3A_41 = arith.cmpf ogt, %slice3A_40, %select_n3A_36 : vector<256x128xf32>
    %select_n3A_42 = arith.select %gt3A_41, %slice3A_40, %select_n3A_36 : vector<256x128xi1>, vector<256x128xf32>
    %jit3A_43 = arith.constant 7 : i32
    %broadcast_in_dim3A_44 = vector.broadcast %jit3A_43 : i32 to vector<256x128xi32>
    %select_n3A_45 = arith.select %gt3A_41, %broadcast_in_dim3A_44, %select_n3A_39 : vector<256x128xi1>, vector<256x128xi32>
    %slice3A_46 = vector.extract_strided_slice %dot_general3A_5 {offsets = [0, 1024], sizes = [256, 128], strides = [1, 1]} : vector<256x4096xf32> to vector<256x128xf32>
    %gt3A_47 = arith.cmpf ogt, %slice3A_46, %select_n3A_42 : vector<256x128xf32>
    %select_n3A_48 = arith.select %gt3A_47, %slice3A_46, %select_n3A_42 : vector<256x128xi1>, vector<256x128xf32>
    %jit3A_49 = arith.constant 8 : i32
    %broadcast_in_dim3A_50 = vector.broadcast %jit3A_49 : i32 to vector<256x128xi32>
    %select_n3A_51 = arith.select %gt3A_47, %broadcast_in_dim3A_50, %select_n3A_45 : vector<256x128xi1>, vector<256x128xi32>
    %slice3A_52 = vector.extract_strided_slice %dot_general3A_5 {offsets = [0, 1152], sizes = [256, 128], strides = [1, 1]} : vector<256x4096xf32> to vector<256x128xf32>
    %gt3A_53 = arith.cmpf ogt, %slice3A_52, %select_n3A_48 : vector<256x128xf32>
    %select_n3A_54 = arith.select %gt3A_53, %slice3A_52, %select_n3A_48 : vector<256x128xi1>, vector<256x128xf32>
    %jit3A_55 = arith.constant 9 : i32
    %broadcast_in_dim3A_56 = vector.broadcast %jit3A_55 : i32 to vector<256x128xi32>
    %select_n3A_57 = arith.select %gt3A_53, %broadcast_in_dim3A_56, %select_n3A_51 : vector<256x128xi1>, vector<256x128xi32>
    %slice3A_58 = vector.extract_strided_slice %dot_general3A_5 {offsets = [0, 1280], sizes = [256, 128], strides = [1, 1]} : vector<256x4096xf32> to vector<256x128xf32>
    %gt3A_59 = arith.cmpf ogt, %slice3A_58, %select_n3A_54 : vector<256x128xf32>
    %select_n3A_60 = arith.select %gt3A_59, %slice3A_58, %select_n3A_54 : vector<256x128xi1>, vector<256x128xf32>
    %jit3A_61 = arith.constant 10 : i32
    %broadcast_in_dim3A_62 = vector.broadcast %jit3A_61 : i32 to vector<256x128xi32>
    %select_n3A_63 = arith.select %gt3A_59, %broadcast_in_dim3A_62, %select_n3A_57 : vector<256x128xi1>, vector<256x128xi32>
    %slice3A_64 = vector.extract_strided_slice %dot_general3A_5 {offsets = [0, 1408], sizes = [256, 128], strides = [1, 1]} : vector<256x4096xf32> to vector<256x128xf32>
    %gt3A_65 = arith.cmpf ogt, %slice3A_64, %select_n3A_60 : vector<256x128xf32>
    %select_n3A_66 = arith.select %gt3A_65, %slice3A_64, %select_n3A_60 : vector<256x128xi1>, vector<256x128xf32>
    %jit3A_67 = arith.constant 11 : i32
    %broadcast_in_dim3A_68 = vector.broadcast %jit3A_67 : i32 to vector<256x128xi32>
    %select_n3A_69 = arith.select %gt3A_65, %broadcast_in_dim3A_68, %select_n3A_63 : vector<256x128xi1>, vector<256x128xi32>
    %slice3A_70 = vector.extract_strided_slice %dot_general3A_5 {offsets = [0, 1536], sizes = [256, 128], strides = [1, 1]} : vector<256x4096xf32> to vector<256x128xf32>
    %gt3A_71 = arith.cmpf ogt, %slice3A_70, %select_n3A_66 : vector<256x128xf32>
    %select_n3A_72 = arith.select %gt3A_71, %slice3A_70, %select_n3A_66 : vector<256x128xi1>, vector<256x128xf32>
    %jit3A_73 = arith.constant 12 : i32
    %broadcast_in_dim3A_74 = vector.broadcast %jit3A_73 : i32 to vector<256x128xi32>
    %select_n3A_75 = arith.select %gt3A_71, %broadcast_in_dim3A_74, %select_n3A_69 : vector<256x128xi1>, vector<256x128xi32>
    %slice3A_76 = vector.extract_strided_slice %dot_general3A_5 {offsets = [0, 1664], sizes = [256, 128], strides = [1, 1]} : vector<256x4096xf32> to vector<256x128xf32>
    %gt3A_77 = arith.cmpf ogt, %slice3A_76, %select_n3A_72 : vector<256x128xf32>
    %select_n3A_78 = arith.select %gt3A_77, %slice3A_76, %select_n3A_72 : vector<256x128xi1>, vector<256x128xf32>
    %jit3A_79 = arith.constant 13 : i32
    %broadcast_in_dim3A_80 = vector.broadcast %jit3A_79 : i32 to vector<256x128xi32>
    %select_n3A_81 = arith.select %gt3A_77, %broadcast_in_dim3A_80, %select_n3A_75 : vector<256x128xi1>, vector<256x128xi32>
    %slice3A_82 = vector.extract_strided_slice %dot_general3A_5 {offsets = [0, 1792], sizes = [256, 128], strides = [1, 1]} : vector<256x4096xf32> to vector<256x128xf32>
    %gt3A_83 = arith.cmpf ogt, %slice3A_82, %select_n3A_78 : vector<256x128xf32>
    %select_n3A_84 = arith.select %gt3A_83, %slice3A_82, %select_n3A_78 : vector<256x128xi1>, vector<256x128xf32>
    %jit3A_85 = arith.constant 14 : i32
    %broadcast_in_dim3A_86 = vector.broadcast %jit3A_85 : i32 to vector<256x128xi32>
    %select_n3A_87 = arith.select %gt3A_83, %broadcast_in_dim3A_86, %select_n3A_81 : vector<256x128xi1>, vector<256x128xi32>
    %slice3A_88 = vector.extract_strided_slice %dot_general3A_5 {offsets = [0, 1920], sizes = [256, 128], strides = [1, 1]} : vector<256x4096xf32> to vector<256x128xf32>
    %gt3A_89 = arith.cmpf ogt, %slice3A_88, %select_n3A_84 : vector<256x128xf32>
    %select_n3A_90 = arith.select %gt3A_89, %slice3A_88, %select_n3A_84 : vector<256x128xi1>, vector<256x128xf32>
    %jit3A_91 = arith.constant 15 : i32
    %broadcast_in_dim3A_92 = vector.broadcast %jit3A_91 : i32 to vector<256x128xi32>
    %select_n3A_93 = arith.select %gt3A_89, %broadcast_in_dim3A_92, %select_n3A_87 : vector<256x128xi1>, vector<256x128xi32>
    %slice3A_94 = vector.extract_strided_slice %dot_general3A_5 {offsets = [0, 2048], sizes = [256, 128], strides = [1, 1]} : vector<256x4096xf32> to vector<256x128xf32>
    %gt3A_95 = arith.cmpf ogt, %slice3A_94, %select_n3A_90 : vector<256x128xf32>
    %select_n3A_96 = arith.select %gt3A_95, %slice3A_94, %select_n3A_90 : vector<256x128xi1>, vector<256x128xf32>
    %jit3A_97 = arith.constant 16 : i32
    %broadcast_in_dim3A_98 = vector.broadcast %jit3A_97 : i32 to vector<256x128xi32>
    %select_n3A_99 = arith.select %gt3A_95, %broadcast_in_dim3A_98, %select_n3A_93 : vector<256x128xi1>, vector<256x128xi32>
    %slice3A_100 = vector.extract_strided_slice %dot_general3A_5 {offsets = [0, 2176], sizes = [256, 128], strides = [1, 1]} : vector<256x4096xf32> to vector<256x128xf32>
    %gt3A_101 = arith.cmpf ogt, %slice3A_100, %select_n3A_96 : vector<256x128xf32>
    %select_n3A_102 = arith.select %gt3A_101, %slice3A_100, %select_n3A_96 : vector<256x128xi1>, vector<256x128xf32>
    %jit3A_103 = arith.constant 17 : i32
    %broadcast_in_dim3A_104 = vector.broadcast %jit3A_103 : i32 to vector<256x128xi32>
    %select_n3A_105 = arith.select %gt3A_101, %broadcast_in_dim3A_104, %select_n3A_99 : vector<256x128xi1>, vector<256x128xi32>
    %slice3A_106 = vector.extract_strided_slice %dot_general3A_5 {offsets = [0, 2304], sizes = [256, 128], strides = [1, 1]} : vector<256x4096xf32> to vector<256x128xf32>
    %gt3A_107 = arith.cmpf ogt, %slice3A_106, %select_n3A_102 : vector<256x128xf32>
    %select_n3A_108 = arith.select %gt3A_107, %slice3A_106, %select_n3A_102 : vector<256x128xi1>, vector<256x128xf32>
    %jit3A_109 = arith.constant 18 : i32
    %broadcast_in_dim3A_110 = vector.broadcast %jit3A_109 : i32 to vector<256x128xi32>
    %select_n3A_111 = arith.select %gt3A_107, %broadcast_in_dim3A_110, %select_n3A_105 : vector<256x128xi1>, vector<256x128xi32>
    %slice3A_112 = vector.extract_strided_slice %dot_general3A_5 {offsets = [0, 2432], sizes = [256, 128], strides = [1, 1]} : vector<256x4096xf32> to vector<256x128xf32>
    %gt3A_113 = arith.cmpf ogt, %slice3A_112, %select_n3A_108 : vector<256x128xf32>
    %select_n3A_114 = arith.select %gt3A_113, %slice3A_112, %select_n3A_108 : vector<256x128xi1>, vector<256x128xf32>
    %jit3A_115 = arith.constant 19 : i32
    %broadcast_in_dim3A_116 = vector.broadcast %jit3A_115 : i32 to vector<256x128xi32>
    %select_n3A_117 = arith.select %gt3A_113, %broadcast_in_dim3A_116, %select_n3A_111 : vector<256x128xi1>, vector<256x128xi32>
    %slice3A_118 = vector.extract_strided_slice %dot_general3A_5 {offsets = [0, 2560], sizes = [256, 128], strides = [1, 1]} : vector<256x4096xf32> to vector<256x128xf32>
    %gt3A_119 = arith.cmpf ogt, %slice3A_118, %select_n3A_114 : vector<256x128xf32>
    %select_n3A_120 = arith.select %gt3A_119, %slice3A_118, %select_n3A_114 : vector<256x128xi1>, vector<256x128xf32>
    %jit3A_121 = arith.constant 20 : i32
    %broadcast_in_dim3A_122 = vector.broadcast %jit3A_121 : i32 to vector<256x128xi32>
    %select_n3A_123 = arith.select %gt3A_119, %broadcast_in_dim3A_122, %select_n3A_117 : vector<256x128xi1>, vector<256x128xi32>
    %slice3A_124 = vector.extract_strided_slice %dot_general3A_5 {offsets = [0, 2688], sizes = [256, 128], strides = [1, 1]} : vector<256x4096xf32> to vector<256x128xf32>
    %gt3A_125 = arith.cmpf ogt, %slice3A_124, %select_n3A_120 : vector<256x128xf32>
    %select_n3A_126 = arith.select %gt3A_125, %slice3A_124, %select_n3A_120 : vector<256x128xi1>, vector<256x128xf32>
    %jit3A_127 = arith.constant 21 : i32
    %broadcast_in_dim3A_128 = vector.broadcast %jit3A_127 : i32 to vector<256x128xi32>
    %select_n3A_129 = arith.select %gt3A_125, %broadcast_in_dim3A_128, %select_n3A_123 : vector<256x128xi1>, vector<256x128xi32>
    %slice3A_130 = vector.extract_strided_slice %dot_general3A_5 {offsets = [0, 2816], sizes = [256, 128], strides = [1, 1]} : vector<256x4096xf32> to vector<256x128xf32>
    %gt3A_131 = arith.cmpf ogt, %slice3A_130, %select_n3A_126 : vector<256x128xf32>
    %select_n3A_132 = arith.select %gt3A_131, %slice3A_130, %select_n3A_126 : vector<256x128xi1>, vector<256x128xf32>
    %jit3A_133 = arith.constant 22 : i32
    %broadcast_in_dim3A_134 = vector.broadcast %jit3A_133 : i32 to vector<256x128xi32>
    %select_n3A_135 = arith.select %gt3A_131, %broadcast_in_dim3A_134, %select_n3A_129 : vector<256x128xi1>, vector<256x128xi32>
    %slice3A_136 = vector.extract_strided_slice %dot_general3A_5 {offsets = [0, 2944], sizes = [256, 128], strides = [1, 1]} : vector<256x4096xf32> to vector<256x128xf32>
    %gt3A_137 = arith.cmpf ogt, %slice3A_136, %select_n3A_132 : vector<256x128xf32>
    %select_n3A_138 = arith.select %gt3A_137, %slice3A_136, %select_n3A_132 : vector<256x128xi1>, vector<256x128xf32>
    %jit3A_139 = arith.constant 23 : i32
    %broadcast_in_dim3A_140 = vector.broadcast %jit3A_139 : i32 to vector<256x128xi32>
    %select_n3A_141 = arith.select %gt3A_137, %broadcast_in_dim3A_140, %select_n3A_135 : vector<256x128xi1>, vector<256x128xi32>
    %slice3A_142 = vector.extract_strided_slice %dot_general3A_5 {offsets = [0, 3072], sizes = [256, 128], strides = [1, 1]} : vector<256x4096xf32> to vector<256x128xf32>
    %gt3A_143 = arith.cmpf ogt, %slice3A_142, %select_n3A_138 : vector<256x128xf32>
    %select_n3A_144 = arith.select %gt3A_143, %slice3A_142, %select_n3A_138 : vector<256x128xi1>, vector<256x128xf32>
    %jit3A_145 = arith.constant 24 : i32
    %broadcast_in_dim3A_146 = vector.broadcast %jit3A_145 : i32 to vector<256x128xi32>
    %select_n3A_147 = arith.select %gt3A_143, %broadcast_in_dim3A_146, %select_n3A_141 : vector<256x128xi1>, vector<256x128xi32>
    %slice3A_148 = vector.extract_strided_slice %dot_general3A_5 {offsets = [0, 3200], sizes = [256, 128], strides = [1, 1]} : vector<256x4096xf32> to vector<256x128xf32>
    %gt3A_149 = arith.cmpf ogt, %slice3A_148, %select_n3A_144 : vector<256x128xf32>
    %select_n3A_150 = arith.select %gt3A_149, %slice3A_148, %select_n3A_144 : vector<256x128xi1>, vector<256x128xf32>
    %jit3A_151 = arith.constant 25 : i32
    %broadcast_in_dim3A_152 = vector.broadcast %jit3A_151 : i32 to vector<256x128xi32>
    %select_n3A_153 = arith.select %gt3A_149, %broadcast_in_dim3A_152, %select_n3A_147 : vector<256x128xi1>, vector<256x128xi32>
    %slice3A_154 = vector.extract_strided_slice %dot_general3A_5 {offsets = [0, 3328], sizes = [256, 128], strides = [1, 1]} : vector<256x4096xf32> to vector<256x128xf32>
    %gt3A_155 = arith.cmpf ogt, %slice3A_154, %select_n3A_150 : vector<256x128xf32>
    %select_n3A_156 = arith.select %gt3A_155, %slice3A_154, %select_n3A_150 : vector<256x128xi1>, vector<256x128xf32>
    %jit3A_157 = arith.constant 26 : i32
    %broadcast_in_dim3A_158 = vector.broadcast %jit3A_157 : i32 to vector<256x128xi32>
    %select_n3A_159 = arith.select %gt3A_155, %broadcast_in_dim3A_158, %select_n3A_153 : vector<256x128xi1>, vector<256x128xi32>
    %slice3A_160 = vector.extract_strided_slice %dot_general3A_5 {offsets = [0, 3456], sizes = [256, 128], strides = [1, 1]} : vector<256x4096xf32> to vector<256x128xf32>
    %gt3A_161 = arith.cmpf ogt, %slice3A_160, %select_n3A_156 : vector<256x128xf32>
    %select_n3A_162 = arith.select %gt3A_161, %slice3A_160, %select_n3A_156 : vector<256x128xi1>, vector<256x128xf32>
    %jit3A_163 = arith.constant 27 : i32
    %broadcast_in_dim3A_164 = vector.broadcast %jit3A_163 : i32 to vector<256x128xi32>
    %select_n3A_165 = arith.select %gt3A_161, %broadcast_in_dim3A_164, %select_n3A_159 : vector<256x128xi1>, vector<256x128xi32>
    %slice3A_166 = vector.extract_strided_slice %dot_general3A_5 {offsets = [0, 3584], sizes = [256, 128], strides = [1, 1]} : vector<256x4096xf32> to vector<256x128xf32>
    %gt3A_167 = arith.cmpf ogt, %slice3A_166, %select_n3A_162 : vector<256x128xf32>
    %select_n3A_168 = arith.select %gt3A_167, %slice3A_166, %select_n3A_162 : vector<256x128xi1>, vector<256x128xf32>
    %jit3A_169 = arith.constant 28 : i32
    %broadcast_in_dim3A_170 = vector.broadcast %jit3A_169 : i32 to vector<256x128xi32>
    %select_n3A_171 = arith.select %gt3A_167, %broadcast_in_dim3A_170, %select_n3A_165 : vector<256x128xi1>, vector<256x128xi32>
    %slice3A_172 = vector.extract_strided_slice %dot_general3A_5 {offsets = [0, 3712], sizes = [256, 128], strides = [1, 1]} : vector<256x4096xf32> to vector<256x128xf32>
    %gt3A_173 = arith.cmpf ogt, %slice3A_172, %select_n3A_168 : vector<256x128xf32>
    %select_n3A_174 = arith.select %gt3A_173, %slice3A_172, %select_n3A_168 : vector<256x128xi1>, vector<256x128xf32>
    %jit3A_175 = arith.constant 29 : i32
    %broadcast_in_dim3A_176 = vector.broadcast %jit3A_175 : i32 to vector<256x128xi32>
    %select_n3A_177 = arith.select %gt3A_173, %broadcast_in_dim3A_176, %select_n3A_171 : vector<256x128xi1>, vector<256x128xi32>
    %slice3A_178 = vector.extract_strided_slice %dot_general3A_5 {offsets = [0, 3840], sizes = [256, 128], strides = [1, 1]} : vector<256x4096xf32> to vector<256x128xf32>
    %gt3A_179 = arith.cmpf ogt, %slice3A_178, %select_n3A_174 : vector<256x128xf32>
    %select_n3A_180 = arith.select %gt3A_179, %slice3A_178, %select_n3A_174 : vector<256x128xi1>, vector<256x128xf32>
    %jit3A_181 = arith.constant 30 : i32
    %broadcast_in_dim3A_182 = vector.broadcast %jit3A_181 : i32 to vector<256x128xi32>
    %select_n3A_183 = arith.select %gt3A_179, %broadcast_in_dim3A_182, %select_n3A_177 : vector<256x128xi1>, vector<256x128xi32>
    %slice3A_184 = vector.extract_strided_slice %dot_general3A_5 {offsets = [0, 3968], sizes = [256, 128], strides = [1, 1]} : vector<256x4096xf32> to vector<256x128xf32>
    %gt3A_185 = arith.cmpf ogt, %slice3A_184, %select_n3A_180 : vector<256x128xf32>
    %select_n3A_186 = arith.select %gt3A_185, %slice3A_184, %select_n3A_180 : vector<256x128xi1>, vector<256x128xf32>
    %jit3A_187 = arith.constant 31 : i32
    %broadcast_in_dim3A_188 = vector.broadcast %jit3A_187 : i32 to vector<256x128xi32>
    %select_n3A_189 = arith.select %gt3A_185, %broadcast_in_dim3A_188, %select_n3A_183 : vector<256x128xi1>, vector<256x128xi32>
    %reduce_max3A = arith.constant dense<0xFF800000> : vector<256xf32>
    %reduce_max3A_190 = vector.multi_reduction <maximumf>, %select_n3A_186, %reduce_max3A [1] : vector<256x128xf32> to vector<256xf32>
    %broadcast_in_dim3A_191 = vector.shape_cast %reduce_max3A_190 : vector<256xf32> to vector<256x1xf32>
    %mul3A = arith.constant 128 : i32
    %mul3A_192 = vector.broadcast %mul3A : i32 to vector<256x128xi32>
    %mul3A_193 = arith.muli %select_n3A_189, %mul3A_192 : vector<256x128xi32>
    %iota3A = tpu.iota {dimensions = array<i32: 1>} : vector<256x128xi32>
    %add3A = arith.addi %mul3A_193, %iota3A : vector<256x128xi32>
    %eq3A = vector.broadcast %broadcast_in_dim3A_191 : vector<256x1xf32> to vector<256x128xf32>
    %eq3A_194 = arith.cmpf oeq, %select_n3A_186, %eq3A : vector<256x128xf32>
    %jit3A_195 = arith.constant 1073741824 : i32
    %broadcast_in_dim3A_196 = vector.broadcast %jit3A_195 : i32 to vector<256x128xi32>
    %select_n3A_197 = arith.select %eq3A_194, %add3A, %broadcast_in_dim3A_196 : vector<256x128xi1>, vector<256x128xi32>
    %reduce_min3A = arith.constant dense<2147483647> : vector<256xi32>
    %reduce_min3A_198 = vector.multi_reduction <minsi>, %select_n3A_197, %reduce_min3A [1] : vector<256x128xi32> to vector<256xi32>
    %broadcast_in_dim3A_199 = vector.shape_cast %reduce_min3A_198 : vector<256xi32> to vector<256x1xi32>
    %swap3A = arith.constant 0 : index
    %swap3A_200 = arith.constant 0 : index
    %swap3A_201 = vector.load %arg3[%swap3A, %swap3A_200] : memref<256x1xi32, #tpu.memory_space<vmem>>, vector<256x1xi32>
    tpu.vector_store %arg3[%swap3A, %swap3A_200], %broadcast_in_dim3A_199 {strides = array<i32>} : memref<256x1xi32, #tpu.memory_space<vmem>>, vector<256x1xi32>,
    %swap3A_202 = arith.constant 0 : index
    %swap3A_203 = arith.constant 0 : index
    %swap3A_204 = vector.load %arg4[%swap3A_202, %swap3A_203] : memref<256x1xf32, #tpu.memory_space<vmem>>, vector<256x1xf32>
    tpu.vector_store %arg4[%swap3A_202, %swap3A_203], %broadcast_in_dim3A_191 {strides = array<i32>} : memref<256x1xf32, #tpu.memory_space<vmem>>, vector<256x1xf32>,
    %slice3A_205 = vector.extract_strided_slice %dot_general3A_5 {offsets = [0, 0], sizes = [8, 4096], strides = [1, 1]} : vector<256x4096xf32> to vector<8x4096xf32>
    %broadcast_in_dim3A_206 = arith.constant 0 : i32
    %broadcast_in_dim3A_207 = vector.broadcast %broadcast_in_dim3A_206 : i32 to vector<8x4096xi32>
    %slice3A_208 = vector.extract_strided_slice %dot_general3A_5 {offsets = [8, 0], sizes = [8, 4096], strides = [1, 1]} : vector<256x4096xf32> to vector<8x4096xf32>
    %gt3A_209 = arith.cmpf ogt, %slice3A_208, %slice3A_205 : vector<8x4096xf32>
    %select_n3A_210 = arith.select %gt3A_209, %slice3A_208, %slice3A_205 : vector<8x4096xi1>, vector<8x4096xf32>
    %jit3A_211 = arith.constant 1 : i32
    %broadcast_in_dim3A_212 = vector.broadcast %jit3A_211 : i32 to vector<8x4096xi32>
    %select_n3A_213 = arith.select %gt3A_209, %broadcast_in_dim3A_212, %broadcast_in_dim3A_207 : vector<8x4096xi1>, vector<8x4096xi32>
    %slice3A_214 = vector.extract_strided_slice %dot_general3A_5 {offsets = [16, 0], sizes = [8, 4096], strides = [1, 1]} : vector<256x4096xf32> to vector<8x4096xf32>
    %gt3A_215 = arith.cmpf ogt, %slice3A_214, %select_n3A_210 : vector<8x4096xf32>
    %select_n3A_216 = arith.select %gt3A_215, %slice3A_214, %select_n3A_210 : vector<8x4096xi1>, vector<8x4096xf32>
    %jit3A_217 = arith.constant 2 : i32
    %broadcast_in_dim3A_218 = vector.broadcast %jit3A_217 : i32 to vector<8x4096xi32>
    %select_n3A_219 = arith.select %gt3A_215, %broadcast_in_dim3A_218, %select_n3A_213 : vector<8x4096xi1>, vector<8x4096xi32>
    %slice3A_220 = vector.extract_strided_slice %dot_general3A_5 {offsets = [24, 0], sizes = [8, 4096], strides = [1, 1]} : vector<256x4096xf32> to vector<8x4096xf32>
    %gt3A_221 = arith.cmpf ogt, %slice3A_220, %select_n3A_216 : vector<8x4096xf32>
    %select_n3A_222 = arith.select %gt3A_221, %slice3A_220, %select_n3A_216 : vector<8x4096xi1>, vector<8x4096xf32>
    %jit3A_223 = arith.constant 3 : i32
    %broadcast_in_dim3A_224 = vector.broadcast %jit3A_223 : i32 to vector<8x4096xi32>
    %select_n3A_225 = arith.select %gt3A_221, %broadcast_in_dim3A_224, %select_n3A_219 : vector<8x4096xi1>, vector<8x4096xi32>
    %slice3A_226 = vector.extract_strided_slice %dot_general3A_5 {offsets = [32, 0], sizes = [8, 4096], strides = [1, 1]} : vector<256x4096xf32> to vector<8x4096xf32>
    %gt3A_227 = arith.cmpf ogt, %slice3A_226, %select_n3A_222 : vector<8x4096xf32>
    %select_n3A_228 = arith.select %gt3A_227, %slice3A_226, %select_n3A_222 : vector<8x4096xi1>, vector<8x4096xf32>
    %jit3A_229 = arith.constant 4 : i32
    %broadcast_in_dim3A_230 = vector.broadcast %jit3A_229 : i32 to vector<8x4096xi32>
    %select_n3A_231 = arith.select %gt3A_227, %broadcast_in_dim3A_230, %select_n3A_225 : vector<8x4096xi1>, vector<8x4096xi32>
    %slice3A_232 = vector.extract_strided_slice %dot_general3A_5 {offsets = [40, 0], sizes = [8, 4096], strides = [1, 1]} : vector<256x4096xf32> to vector<8x4096xf32>
    %gt3A_233 = arith.cmpf ogt, %slice3A_232, %select_n3A_228 : vector<8x4096xf32>
    %select_n3A_234 = arith.select %gt3A_233, %slice3A_232, %select_n3A_228 : vector<8x4096xi1>, vector<8x4096xf32>
    %jit3A_235 = arith.constant 5 : i32
    %broadcast_in_dim3A_236 = vector.broadcast %jit3A_235 : i32 to vector<8x4096xi32>
    %select_n3A_237 = arith.select %gt3A_233, %broadcast_in_dim3A_236, %select_n3A_231 : vector<8x4096xi1>, vector<8x4096xi32>
    %slice3A_238 = vector.extract_strided_slice %dot_general3A_5 {offsets = [48, 0], sizes = [8, 4096], strides = [1, 1]} : vector<256x4096xf32> to vector<8x4096xf32>
    %gt3A_239 = arith.cmpf ogt, %slice3A_238, %select_n3A_234 : vector<8x4096xf32>
    %select_n3A_240 = arith.select %gt3A_239, %slice3A_238, %select_n3A_234 : vector<8x4096xi1>, vector<8x4096xf32>
    %jit3A_241 = arith.constant 6 : i32
    %broadcast_in_dim3A_242 = vector.broadcast %jit3A_241 : i32 to vector<8x4096xi32>
    %select_n3A_243 = arith.select %gt3A_239, %broadcast_in_dim3A_242, %select_n3A_237 : vector<8x4096xi1>, vector<8x4096xi32>
    %slice3A_244 = vector.extract_strided_slice %dot_general3A_5 {offsets = [56, 0], sizes = [8, 4096], strides = [1, 1]} : vector<256x4096xf32> to vector<8x4096xf32>
    %gt3A_245 = arith.cmpf ogt, %slice3A_244, %select_n3A_240 : vector<8x4096xf32>
    %select_n3A_246 = arith.select %gt3A_245, %slice3A_244, %select_n3A_240 : vector<8x4096xi1>, vector<8x4096xf32>
    %jit3A_247 = arith.constant 7 : i32
    %broadcast_in_dim3A_248 = vector.broadcast %jit3A_247 : i32 to vector<8x4096xi32>
    %select_n3A_249 = arith.select %gt3A_245, %broadcast_in_dim3A_248, %select_n3A_243 : vector<8x4096xi1>, vector<8x4096xi32>
    %slice3A_250 = vector.extract_strided_slice %dot_general3A_5 {offsets = [64, 0], sizes = [8, 4096], strides = [1, 1]} : vector<256x4096xf32> to vector<8x4096xf32>
    %gt3A_251 = arith.cmpf ogt, %slice3A_250, %select_n3A_246 : vector<8x4096xf32>
    %select_n3A_252 = arith.select %gt3A_251, %slice3A_250, %select_n3A_246 : vector<8x4096xi1>, vector<8x4096xf32>
    %jit3A_253 = arith.constant 8 : i32
    %broadcast_in_dim3A_254 = vector.broadcast %jit3A_253 : i32 to vector<8x4096xi32>
    %select_n3A_255 = arith.select %gt3A_251, %broadcast_in_dim3A_254, %select_n3A_249 : vector<8x4096xi1>, vector<8x4096xi32>
    %slice3A_256 = vector.extract_strided_slice %dot_general3A_5 {offsets = [72, 0], sizes = [8, 4096], strides = [1, 1]} : vector<256x4096xf32> to vector<8x4096xf32>
    %gt3A_257 = arith.cmpf ogt, %slice3A_256, %select_n3A_252 : vector<8x4096xf32>
    %select_n3A_258 = arith.select %gt3A_257, %slice3A_256, %select_n3A_252 : vector<8x4096xi1>, vector<8x4096xf32>
    %jit3A_259 = arith.constant 9 : i32
    %broadcast_in_dim3A_260 = vector.broadcast %jit3A_259 : i32 to vector<8x4096xi32>
    %select_n3A_261 = arith.select %gt3A_257, %broadcast_in_dim3A_260, %select_n3A_255 : vector<8x4096xi1>, vector<8x4096xi32>
    %slice3A_262 = vector.extract_strided_slice %dot_general3A_5 {offsets = [80, 0], sizes = [8, 4096], strides = [1, 1]} : vector<256x4096xf32> to vector<8x4096xf32>
    %gt3A_263 = arith.cmpf ogt, %slice3A_262, %select_n3A_258 : vector<8x4096xf32>
    %select_n3A_264 = arith.select %gt3A_263, %slice3A_262, %select_n3A_258 : vector<8x4096xi1>, vector<8x4096xf32>
    %jit3A_265 = arith.constant 10 : i32
    %broadcast_in_dim3A_266 = vector.broadcast %jit3A_265 : i32 to vector<8x4096xi32>
    %select_n3A_267 = arith.select %gt3A_263, %broadcast_in_dim3A_266, %select_n3A_261 : vector<8x4096xi1>, vector<8x4096xi32>
    %slice3A_268 = vector.extract_strided_slice %dot_general3A_5 {offsets = [88, 0], sizes = [8, 4096], strides = [1, 1]} : vector<256x4096xf32> to vector<8x4096xf32>
    %gt3A_269 = arith.cmpf ogt, %slice3A_268, %select_n3A_264 : vector<8x4096xf32>
    %select_n3A_270 = arith.select %gt3A_269, %slice3A_268, %select_n3A_264 : vector<8x4096xi1>, vector<8x4096xf32>
    %jit3A_271 = arith.constant 11 : i32
    %broadcast_in_dim3A_272 = vector.broadcast %jit3A_271 : i32 to vector<8x4096xi32>
    %select_n3A_273 = arith.select %gt3A_269, %broadcast_in_dim3A_272, %select_n3A_267 : vector<8x4096xi1>, vector<8x4096xi32>
    %slice3A_274 = vector.extract_strided_slice %dot_general3A_5 {offsets = [96, 0], sizes = [8, 4096], strides = [1, 1]} : vector<256x4096xf32> to vector<8x4096xf32>
    %gt3A_275 = arith.cmpf ogt, %slice3A_274, %select_n3A_270 : vector<8x4096xf32>
    %select_n3A_276 = arith.select %gt3A_275, %slice3A_274, %select_n3A_270 : vector<8x4096xi1>, vector<8x4096xf32>
    %jit3A_277 = arith.constant 12 : i32
    %broadcast_in_dim3A_278 = vector.broadcast %jit3A_277 : i32 to vector<8x4096xi32>
    %select_n3A_279 = arith.select %gt3A_275, %broadcast_in_dim3A_278, %select_n3A_273 : vector<8x4096xi1>, vector<8x4096xi32>
    %slice3A_280 = vector.extract_strided_slice %dot_general3A_5 {offsets = [104, 0], sizes = [8, 4096], strides = [1, 1]} : vector<256x4096xf32> to vector<8x4096xf32>
    %gt3A_281 = arith.cmpf ogt, %slice3A_280, %select_n3A_276 : vector<8x4096xf32>
    %select_n3A_282 = arith.select %gt3A_281, %slice3A_280, %select_n3A_276 : vector<8x4096xi1>, vector<8x4096xf32>
    %jit3A_283 = arith.constant 13 : i32
    %broadcast_in_dim3A_284 = vector.broadcast %jit3A_283 : i32 to vector<8x4096xi32>
    %select_n3A_285 = arith.select %gt3A_281, %broadcast_in_dim3A_284, %select_n3A_279 : vector<8x4096xi1>, vector<8x4096xi32>
    %slice3A_286 = vector.extract_strided_slice %dot_general3A_5 {offsets = [112, 0], sizes = [8, 4096], strides = [1, 1]} : vector<256x4096xf32> to vector<8x4096xf32>
    %gt3A_287 = arith.cmpf ogt, %slice3A_286, %select_n3A_282 : vector<8x4096xf32>
    %select_n3A_288 = arith.select %gt3A_287, %slice3A_286, %select_n3A_282 : vector<8x4096xi1>, vector<8x4096xf32>
    %jit3A_289 = arith.constant 14 : i32
    %broadcast_in_dim3A_290 = vector.broadcast %jit3A_289 : i32 to vector<8x4096xi32>
    %select_n3A_291 = arith.select %gt3A_287, %broadcast_in_dim3A_290, %select_n3A_285 : vector<8x4096xi1>, vector<8x4096xi32>
    %slice3A_292 = vector.extract_strided_slice %dot_general3A_5 {offsets = [120, 0], sizes = [8, 4096], strides = [1, 1]} : vector<256x4096xf32> to vector<8x4096xf32>
    %gt3A_293 = arith.cmpf ogt, %slice3A_292, %select_n3A_288 : vector<8x4096xf32>
    %select_n3A_294 = arith.select %gt3A_293, %slice3A_292, %select_n3A_288 : vector<8x4096xi1>, vector<8x4096xf32>
    %jit3A_295 = arith.constant 15 : i32
    %broadcast_in_dim3A_296 = vector.broadcast %jit3A_295 : i32 to vector<8x4096xi32>
    %select_n3A_297 = arith.select %gt3A_293, %broadcast_in_dim3A_296, %select_n3A_291 : vector<8x4096xi1>, vector<8x4096xi32>
    %slice3A_298 = vector.extract_strided_slice %dot_general3A_5 {offsets = [128, 0], sizes = [8, 4096], strides = [1, 1]} : vector<256x4096xf32> to vector<8x4096xf32>
    %gt3A_299 = arith.cmpf ogt, %slice3A_298, %select_n3A_294 : vector<8x4096xf32>
    %select_n3A_300 = arith.select %gt3A_299, %slice3A_298, %select_n3A_294 : vector<8x4096xi1>, vector<8x4096xf32>
    %jit3A_301 = arith.constant 16 : i32
    %broadcast_in_dim3A_302 = vector.broadcast %jit3A_301 : i32 to vector<8x4096xi32>
    %select_n3A_303 = arith.select %gt3A_299, %broadcast_in_dim3A_302, %select_n3A_297 : vector<8x4096xi1>, vector<8x4096xi32>
    %slice3A_304 = vector.extract_strided_slice %dot_general3A_5 {offsets = [136, 0], sizes = [8, 4096], strides = [1, 1]} : vector<256x4096xf32> to vector<8x4096xf32>
    %gt3A_305 = arith.cmpf ogt, %slice3A_304, %select_n3A_300 : vector<8x4096xf32>
    %select_n3A_306 = arith.select %gt3A_305, %slice3A_304, %select_n3A_300 : vector<8x4096xi1>, vector<8x4096xf32>
    %jit3A_307 = arith.constant 17 : i32
    %broadcast_in_dim3A_308 = vector.broadcast %jit3A_307 : i32 to vector<8x4096xi32>
    %select_n3A_309 = arith.select %gt3A_305, %broadcast_in_dim3A_308, %select_n3A_303 : vector<8x4096xi1>, vector<8x4096xi32>
    %slice3A_310 = vector.extract_strided_slice %dot_general3A_5 {offsets = [144, 0], sizes = [8, 4096], strides = [1, 1]} : vector<256x4096xf32> to vector<8x4096xf32>
    %gt3A_311 = arith.cmpf ogt, %slice3A_310, %select_n3A_306 : vector<8x4096xf32>
    %select_n3A_312 = arith.select %gt3A_311, %slice3A_310, %select_n3A_306 : vector<8x4096xi1>, vector<8x4096xf32>
    %jit3A_313 = arith.constant 18 : i32
    %broadcast_in_dim3A_314 = vector.broadcast %jit3A_313 : i32 to vector<8x4096xi32>
    %select_n3A_315 = arith.select %gt3A_311, %broadcast_in_dim3A_314, %select_n3A_309 : vector<8x4096xi1>, vector<8x4096xi32>
    %slice3A_316 = vector.extract_strided_slice %dot_general3A_5 {offsets = [152, 0], sizes = [8, 4096], strides = [1, 1]} : vector<256x4096xf32> to vector<8x4096xf32>
    %gt3A_317 = arith.cmpf ogt, %slice3A_316, %select_n3A_312 : vector<8x4096xf32>
    %select_n3A_318 = arith.select %gt3A_317, %slice3A_316, %select_n3A_312 : vector<8x4096xi1>, vector<8x4096xf32>
    %jit3A_319 = arith.constant 19 : i32
    %broadcast_in_dim3A_320 = vector.broadcast %jit3A_319 : i32 to vector<8x4096xi32>
    %select_n3A_321 = arith.select %gt3A_317, %broadcast_in_dim3A_320, %select_n3A_315 : vector<8x4096xi1>, vector<8x4096xi32>
    %slice3A_322 = vector.extract_strided_slice %dot_general3A_5 {offsets = [160, 0], sizes = [8, 4096], strides = [1, 1]} : vector<256x4096xf32> to vector<8x4096xf32>
    %gt3A_323 = arith.cmpf ogt, %slice3A_322, %select_n3A_318 : vector<8x4096xf32>
    %select_n3A_324 = arith.select %gt3A_323, %slice3A_322, %select_n3A_318 : vector<8x4096xi1>, vector<8x4096xf32>
    %jit3A_325 = arith.constant 20 : i32
    %broadcast_in_dim3A_326 = vector.broadcast %jit3A_325 : i32 to vector<8x4096xi32>
    %select_n3A_327 = arith.select %gt3A_323, %broadcast_in_dim3A_326, %select_n3A_321 : vector<8x4096xi1>, vector<8x4096xi32>
    %slice3A_328 = vector.extract_strided_slice %dot_general3A_5 {offsets = [168, 0], sizes = [8, 4096], strides = [1, 1]} : vector<256x4096xf32> to vector<8x4096xf32>
    %gt3A_329 = arith.cmpf ogt, %slice3A_328, %select_n3A_324 : vector<8x4096xf32>
    %select_n3A_330 = arith.select %gt3A_329, %slice3A_328, %select_n3A_324 : vector<8x4096xi1>, vector<8x4096xf32>
    %jit3A_331 = arith.constant 21 : i32
    %broadcast_in_dim3A_332 = vector.broadcast %jit3A_331 : i32 to vector<8x4096xi32>
    %select_n3A_333 = arith.select %gt3A_329, %broadcast_in_dim3A_332, %select_n3A_327 : vector<8x4096xi1>, vector<8x4096xi32>
    %slice3A_334 = vector.extract_strided_slice %dot_general3A_5 {offsets = [176, 0], sizes = [8, 4096], strides = [1, 1]} : vector<256x4096xf32> to vector<8x4096xf32>
    %gt3A_335 = arith.cmpf ogt, %slice3A_334, %select_n3A_330 : vector<8x4096xf32>
    %select_n3A_336 = arith.select %gt3A_335, %slice3A_334, %select_n3A_330 : vector<8x4096xi1>, vector<8x4096xf32>
    %jit3A_337 = arith.constant 22 : i32
    %broadcast_in_dim3A_338 = vector.broadcast %jit3A_337 : i32 to vector<8x4096xi32>
    %select_n3A_339 = arith.select %gt3A_335, %broadcast_in_dim3A_338, %select_n3A_333 : vector<8x4096xi1>, vector<8x4096xi32>
    %slice3A_340 = vector.extract_strided_slice %dot_general3A_5 {offsets = [184, 0], sizes = [8, 4096], strides = [1, 1]} : vector<256x4096xf32> to vector<8x4096xf32>
    %gt3A_341 = arith.cmpf ogt, %slice3A_340, %select_n3A_336 : vector<8x4096xf32>
    %select_n3A_342 = arith.select %gt3A_341, %slice3A_340, %select_n3A_336 : vector<8x4096xi1>, vector<8x4096xf32>
    %jit3A_343 = arith.constant 23 : i32
    %broadcast_in_dim3A_344 = vector.broadcast %jit3A_343 : i32 to vector<8x4096xi32>
    %select_n3A_345 = arith.select %gt3A_341, %broadcast_in_dim3A_344, %select_n3A_339 : vector<8x4096xi1>, vector<8x4096xi32>
    %slice3A_346 = vector.extract_strided_slice %dot_general3A_5 {offsets = [192, 0], sizes = [8, 4096], strides = [1, 1]} : vector<256x4096xf32> to vector<8x4096xf32>
    %gt3A_347 = arith.cmpf ogt, %slice3A_346, %select_n3A_342 : vector<8x4096xf32>
    %select_n3A_348 = arith.select %gt3A_347, %slice3A_346, %select_n3A_342 : vector<8x4096xi1>, vector<8x4096xf32>
    %jit3A_349 = arith.constant 24 : i32
    %broadcast_in_dim3A_350 = vector.broadcast %jit3A_349 : i32 to vector<8x4096xi32>
    %select_n3A_351 = arith.select %gt3A_347, %broadcast_in_dim3A_350, %select_n3A_345 : vector<8x4096xi1>, vector<8x4096xi32>
    %slice3A_352 = vector.extract_strided_slice %dot_general3A_5 {offsets = [200, 0], sizes = [8, 4096], strides = [1, 1]} : vector<256x4096xf32> to vector<8x4096xf32>
    %gt3A_353 = arith.cmpf ogt, %slice3A_352, %select_n3A_348 : vector<8x4096xf32>
    %select_n3A_354 = arith.select %gt3A_353, %slice3A_352, %select_n3A_348 : vector<8x4096xi1>, vector<8x4096xf32>
    %jit3A_355 = arith.constant 25 : i32
    %broadcast_in_dim3A_356 = vector.broadcast %jit3A_355 : i32 to vector<8x4096xi32>
    %select_n3A_357 = arith.select %gt3A_353, %broadcast_in_dim3A_356, %select_n3A_351 : vector<8x4096xi1>, vector<8x4096xi32>
    %slice3A_358 = vector.extract_strided_slice %dot_general3A_5 {offsets = [208, 0], sizes = [8, 4096], strides = [1, 1]} : vector<256x4096xf32> to vector<8x4096xf32>
    %gt3A_359 = arith.cmpf ogt, %slice3A_358, %select_n3A_354 : vector<8x4096xf32>
    %select_n3A_360 = arith.select %gt3A_359, %slice3A_358, %select_n3A_354 : vector<8x4096xi1>, vector<8x4096xf32>
    %jit3A_361 = arith.constant 26 : i32
    %broadcast_in_dim3A_362 = vector.broadcast %jit3A_361 : i32 to vector<8x4096xi32>
    %select_n3A_363 = arith.select %gt3A_359, %broadcast_in_dim3A_362, %select_n3A_357 : vector<8x4096xi1>, vector<8x4096xi32>
    %slice3A_364 = vector.extract_strided_slice %dot_general3A_5 {offsets = [216, 0], sizes = [8, 4096], strides = [1, 1]} : vector<256x4096xf32> to vector<8x4096xf32>
    %gt3A_365 = arith.cmpf ogt, %slice3A_364, %select_n3A_360 : vector<8x4096xf32>
    %select_n3A_366 = arith.select %gt3A_365, %slice3A_364, %select_n3A_360 : vector<8x4096xi1>, vector<8x4096xf32>
    %jit3A_367 = arith.constant 27 : i32
    %broadcast_in_dim3A_368 = vector.broadcast %jit3A_367 : i32 to vector<8x4096xi32>
    %select_n3A_369 = arith.select %gt3A_365, %broadcast_in_dim3A_368, %select_n3A_363 : vector<8x4096xi1>, vector<8x4096xi32>
    %slice3A_370 = vector.extract_strided_slice %dot_general3A_5 {offsets = [224, 0], sizes = [8, 4096], strides = [1, 1]} : vector<256x4096xf32> to vector<8x4096xf32>
    %gt3A_371 = arith.cmpf ogt, %slice3A_370, %select_n3A_366 : vector<8x4096xf32>
    %select_n3A_372 = arith.select %gt3A_371, %slice3A_370, %select_n3A_366 : vector<8x4096xi1>, vector<8x4096xf32>
    %jit3A_373 = arith.constant 28 : i32
    %broadcast_in_dim3A_374 = vector.broadcast %jit3A_373 : i32 to vector<8x4096xi32>
    %select_n3A_375 = arith.select %gt3A_371, %broadcast_in_dim3A_374, %select_n3A_369 : vector<8x4096xi1>, vector<8x4096xi32>
    %slice3A_376 = vector.extract_strided_slice %dot_general3A_5 {offsets = [232, 0], sizes = [8, 4096], strides = [1, 1]} : vector<256x4096xf32> to vector<8x4096xf32>
    %gt3A_377 = arith.cmpf ogt, %slice3A_376, %select_n3A_372 : vector<8x4096xf32>
    %select_n3A_378 = arith.select %gt3A_377, %slice3A_376, %select_n3A_372 : vector<8x4096xi1>, vector<8x4096xf32>
    %jit3A_379 = arith.constant 29 : i32
    %broadcast_in_dim3A_380 = vector.broadcast %jit3A_379 : i32 to vector<8x4096xi32>
    %select_n3A_381 = arith.select %gt3A_377, %broadcast_in_dim3A_380, %select_n3A_375 : vector<8x4096xi1>, vector<8x4096xi32>
    %slice3A_382 = vector.extract_strided_slice %dot_general3A_5 {offsets = [240, 0], sizes = [8, 4096], strides = [1, 1]} : vector<256x4096xf32> to vector<8x4096xf32>
    %gt3A_383 = arith.cmpf ogt, %slice3A_382, %select_n3A_378 : vector<8x4096xf32>
    %select_n3A_384 = arith.select %gt3A_383, %slice3A_382, %select_n3A_378 : vector<8x4096xi1>, vector<8x4096xf32>
    %jit3A_385 = arith.constant 30 : i32
    %broadcast_in_dim3A_386 = vector.broadcast %jit3A_385 : i32 to vector<8x4096xi32>
    %select_n3A_387 = arith.select %gt3A_383, %broadcast_in_dim3A_386, %select_n3A_381 : vector<8x4096xi1>, vector<8x4096xi32>
    %slice3A_388 = vector.extract_strided_slice %dot_general3A_5 {offsets = [248, 0], sizes = [8, 4096], strides = [1, 1]} : vector<256x4096xf32> to vector<8x4096xf32>
    %gt3A_389 = arith.cmpf ogt, %slice3A_388, %select_n3A_384 : vector<8x4096xf32>
    %select_n3A_390 = arith.select %gt3A_389, %slice3A_388, %select_n3A_384 : vector<8x4096xi1>, vector<8x4096xf32>
    %jit3A_391 = arith.constant 31 : i32
    %broadcast_in_dim3A_392 = vector.broadcast %jit3A_391 : i32 to vector<8x4096xi32>
    %select_n3A_393 = arith.select %gt3A_389, %broadcast_in_dim3A_392, %select_n3A_387 : vector<8x4096xi1>, vector<8x4096xi32>
    %reduce_max3A_394 = arith.constant dense<0xFF800000> : vector<4096xf32>
    %reduce_max3A_395 = vector.multi_reduction <maximumf>, %select_n3A_390, %reduce_max3A_394 [0] : vector<8x4096xf32> to vector<4096xf32>
    %broadcast_in_dim3A_396 = vector.shape_cast %reduce_max3A_395 : vector<4096xf32> to vector<1x4096xf32>
    %mul3A_397 = arith.constant 8 : i32
    %mul3A_398 = vector.broadcast %mul3A_397 : i32 to vector<8x4096xi32>
    %mul3A_399 = arith.muli %select_n3A_393, %mul3A_398 : vector<8x4096xi32>
    %iota3A_400 = tpu.iota {dimensions = array<i32: 0>} : vector<8x4096xi32>
    %add3A_401 = arith.addi %mul3A_399, %iota3A_400 : vector<8x4096xi32>
    %mul3A_402 = arith.constant 256 : i32
    %mul3A_403 = arith.muli %arg0, %mul3A_402 : i32
    %add3A_404 = vector.broadcast %mul3A_403 : i32 to vector<8x4096xi32>
    %add3A_405 = arith.addi %add3A_401, %add3A_404 : vector<8x4096xi32>
    %eq3A_406 = vector.broadcast %broadcast_in_dim3A_396 : vector<1x4096xf32> to vector<8x4096xf32>
    %eq3A_407 = arith.cmpf oeq, %select_n3A_390, %eq3A_406 : vector<8x4096xf32>
    %jit3A_408 = arith.constant 1073741824 : i32
    %broadcast_in_dim3A_409 = vector.broadcast %jit3A_408 : i32 to vector<8x4096xi32>
    %select_n3A_410 = arith.select %eq3A_407, %add3A_405, %broadcast_in_dim3A_409 : vector<8x4096xi1>, vector<8x4096xi32>
    %reduce_min3A_411 = arith.constant dense<2147483647> : vector<4096xi32>
    %reduce_min3A_412 = vector.multi_reduction <minsi>, %select_n3A_410, %reduce_min3A_411 [0] : vector<8x4096xi32> to vector<4096xi32>
    %broadcast_in_dim3A_413 = vector.shape_cast %reduce_min3A_412 : vector<4096xi32> to vector<1x4096xi32>
    %eq3A_414 = arith.constant 0 : i32
    %eq3A_415 = arith.cmpi eq, %arg0, %eq3A_414 : i32
    %convert_element_type3A = arith.extui %eq3A_415 : i1 to i32
    %cond3A = arith.constant 0 : i32
    %cond3A_416 = arith.cmpi ne, %convert_element_type3A, %cond3A : i32
    scf.if %cond3A_416 {
      %swap3A_422 = arith.constant 0 : index
      %swap3A_423 = arith.constant 0 : index
      %swap3A_424 = vector.load %arg6[%swap3A_422, %swap3A_423] : memref<1x4096xf32, #tpu.memory_space<vmem>>, vector<1x4096xf32>
      tpu.vector_store %arg6[%swap3A_422, %swap3A_423], %broadcast_in_dim3A_396 {strides = array<i32>} : memref<1x4096xf32, #tpu.memory_space<vmem>>, vector<1x4096xf32>,
      %swap3A_425 = arith.constant 0 : index
      %swap3A_426 = arith.constant 0 : index
      %swap3A_427 = vector.load %arg5[%swap3A_425, %swap3A_426] : memref<1x4096xi32, #tpu.memory_space<vmem>>, vector<1x4096xi32>
      tpu.vector_store %arg5[%swap3A_425, %swap3A_426], %broadcast_in_dim3A_413 {strides = array<i32>} : memref<1x4096xi32, #tpu.memory_space<vmem>>, vector<1x4096xi32>,
    } else {
    }
    %gt3A_417 = arith.constant 0 : i32
    %gt3A_418 = arith.cmpi sgt, %arg0, %gt3A_417 : i32
    %convert_element_type3A_419 = arith.extui %gt3A_418 : i1 to i32
    %cond3A_420 = arith.constant 0 : i32
    %cond3A_421 = arith.cmpi ne, %convert_element_type3A_419, %cond3A_420 : i32
    scf.if %cond3A_421 {
      %get3A_422 = arith.constant 0 : index
      %get3A_423 = arith.constant 0 : index
      %get3A_424 = vector.load %arg6[%get3A_422, %get3A_423] : memref<1x4096xf32, #tpu.memory_space<vmem>>, vector<1x4096xf32>
      %get3A_425 = arith.constant 0 : index
      %get3A_426 = arith.constant 0 : index
      %get3A_427 = vector.load %arg5[%get3A_425, %get3A_426] : memref<1x4096xi32, #tpu.memory_space<vmem>>, vector<1x4096xi32>
      %gt3A_428 = arith.cmpf ogt, %broadcast_in_dim3A_396, %get3A_424 : vector<1x4096xf32>
      %select_n3A_429 = arith.select %gt3A_428, %broadcast_in_dim3A_396, %get3A_424 : vector<1x4096xi1>, vector<1x4096xf32>
      %swap3A_430 = arith.constant 0 : index
      %swap3A_431 = arith.constant 0 : index
      %swap3A_432 = vector.load %arg6[%swap3A_430, %swap3A_431] : memref<1x4096xf32, #tpu.memory_space<vmem>>, vector<1x4096xf32>
      tpu.vector_store %arg6[%swap3A_430, %swap3A_431], %select_n3A_429 {strides = array<i32>} : memref<1x4096xf32, #tpu.memory_space<vmem>>, vector<1x4096xf32>,
      %select_n3A_433 = arith.select %gt3A_428, %broadcast_in_dim3A_413, %get3A_427 : vector<1x4096xi1>, vector<1x4096xi32>
      %swap3A_434 = arith.constant 0 : index
      %swap3A_435 = arith.constant 0 : index
      %swap3A_436 = vector.load %arg5[%swap3A_434, %swap3A_435] : memref<1x4096xi32, #tpu.memory_space<vmem>>, vector<1x4096xi32>
      tpu.vector_store %arg5[%swap3A_434, %swap3A_435], %select_n3A_433 {strides = array<i32>} : memref<1x4096xi32, #tpu.memory_space<vmem>>, vector<1x4096xi32>,
    } else {
    }
    return
  }
  func.func @transform_0(%arg0: i32) -> (i32, i32) {
    %c0_i32 = arith.constant 0 : i32
    %c0_i32_0 = arith.constant 0 : i32
    return %c0_i32, %arg0 : i32, i32
  }
  func.func @transform_1(%arg0: i32) -> (i32, i32) {
    %c0_i32 = arith.constant 0 : i32
    %c0_i32_0 = arith.constant 0 : i32
    %c0_i32_1 = arith.constant 0 : i32
    return %c0_i32, %c0_i32_0 : i32, i32
  }
  func.func @transform_2(%arg0: i32) -> (i32, i32) {
    %c0_i32 = arith.constant 0 : i32
    %c0_i32_0 = arith.constant 0 : i32
    return %arg0, %c0_i32 : i32, i32
  }
  func.func @transform_3(%arg0: i32) -> (i32, i32) {
    %c0_i32 = arith.constant 0 : i32
    %c0_i32_0 = arith.constant 0 : i32
    return %arg0, %c0_i32 : i32, i32
  }
  func.func @transform_4(%arg0: i32) -> (i32, i32) {
    %c0_i32 = arith.constant 0 : i32
    %c0_i32_0 = arith.constant 0 : i32
    %c0_i32_1 = arith.constant 0 : i32
    return %c0_i32, %c0_i32_0 : i32, i32
  }
}

</mosaic_0001>

<sc_bundles>
// kernel: kernel.4.cloned.1.call-start
scs
__scs_entry_jumppad:
0x0: {  	(pc) =	sbr.rel $0x88, $3  }
0x1: {  	(tag) =	ssettag $0x0;
	lr =	simm.s32 $0x1  }
0x2: {  	[smem:$0x3F9F] =	sst lr;
	_ =	strace $0xD0000000  }
0x3: {  	_ = 	snop  }
0x4: {  	_ = 	snop  }
0x5: {  	_ = 	snop  }
0x6: {  	_ = 	snop  }
0x7: {  	_ = 	snop  }
__scs_overlays_trampoline_lowered:
0x8: {  	[smem:$0x3FAE] =	sst s0  }
0x9: {  	[smem:$0x3FAF] =	sst s1  }
0xa: {  	[smem:$0x3FB0] =	sst s2  }
0xb: {  	[smem:$0x3FB1] =	sst s3  }
0xc: {  	[smem:$0x3FB2] =	sst s4  }
0xd: {  	[smem:$0x3FB3] =	sst s5  }
0xe: {  	[smem:$0x3FB4] =	sst s6  }
0xf: {  	[smem:$0x3FB5] =	sst s7  }
0x10: {  	[smem:$0x3FB6] =	sst s8  }
0x11: {  	[smem:$0x3FB7] =	sst s9;
	s0 =	simm.s32 @!p0 $0x0  }
0x12: {  	s1 =	sld [smem:$0x3F9D];
	s0 =	simm.s32 @p0 $0x1  }
0x13: {  	[smem:$0x3FB8] =	sst s0;
	s0 =	simm.s32 @!p1 $0x0  }
0x14: {  	s2 =	sld [smem:$0x3F9C];
	s0 =	simm.s32 @p1 $0x1  }
0x15: {  	[smem:$0x3FB9] =	sst s0;
	s0 =	simm.s32 @!p2 $0x0  }
0x16: {  	s3 =	sld [smem:$0x3FDB];
	s0 =	simm.s32 @p2 $0x1  }
0x17: {  	s4 =	simm.s32 $0x1BF5;
	[smem:$0x3FBB] =	sst s0  }
0x18: {  	s0 =	sld [smem:$0x3F9E];
	_ =	swait.ge [sflag:s4], $0x0  }
0x19: {  	s7 =	sld [smem:$0x3F9F]  }
0x1a: {  	s8 =	sadd.s32 $0xFFFFE003, lr  }
0x1b: {  	s9 =	sadd.s32 $0xFFFFFEF7, lr;
	s5 =	simm.s32 $0xFFFFFFFF;
	p2 =	slt.u32 s8, $0xFFFFF086  }
0x1c: {  	p1 =	slt.u32 s9, $0xF7A;
	s5 =	simm.s32 @!p2 $0x0  }
0x1d: {  	s5 =	simm.s32 @p1 $0x1;
	p0 =	seq.s32 s7, s2  }
0x1e: {  	s7 =	smul.u32 @!p0 $0xF7A, s2;
	p2 =	seq.s32 @!p0 s5, $0x0  }
0x1f: {  	s9 =	smul.u32 $0xF7A, s1;
	s8 =	simm.s32 @!p0 $0x1BF5;
	p2 =	por !p2, p0  }
0x20: {  	[sflag:s8] =	ssyncset.s32 @!p0 $0xFFFFF086;
	s6 =	sadd.s32 @!p0 s3, s7;
	s7 =	simm.s32 @!p0 $0x108  }
0x21: {  	s3 =	sadd.s32 s3, s9;
	s6 =	sadd.s32 @!p0 $0x88, s6;
	s7 =	simm.s32 @p2 $0x1082  }
0x22: {  	[simem:s7], [sflag:s8] =	dma.local @!p0 [hbm:s6], $0xF7A  }
0x23: {  	s9 =	sor.u32 $0xD0000000, s2;
	s6 =	simm.s32 $0x108;
	_ =	swait.ge @!p0 [sflag:s8], $0x0  }
0x24: {  	s3 =	sadd.s32 $0x88, s3;
	s6 =	simm.s32 @!p1 $0x1082;
	[sflag:s4] =	ssyncset.s32 $0xFFFFF086  }
0x25: {  	[simem:s6], [sflag:s4] =	dma.local [hbm:s3], $0xF7A  }
0x26: {  	[smem:$0x3F9F] =	sst s1;
	(tag) =	ssettag s2;
	_ =	strace s9  }
0x27: {  	s1 =	sld [smem:$0x3FAF]  }
0x28: {  	s2 =	sld [smem:$0x3FB0]  }
0x29: {  	s4 =	sld [smem:$0x3FB2]  }
0x2a: {  	p0 =	seq.s32 s5, $0x0;
	s5 =	sld [smem:$0x3FB3]  }
0x2b: {  	s6 =	sld [smem:$0x3FB4]  }
0x2c: {  	s7 =	sld [smem:$0x3FB5]  }
0x2d: {  	s3 =	simm.s32 $0x108;
	s8 =	sld [smem:$0x3FB6]  }
0x2e: {  	s3 =	simm.s32 @!p0 $0x1082;
	s9 =	sld [smem:$0x3FB7]  }
0x2f: {  	lr =	sadd.s32 s0, s3;
	s0 =	sld [smem:$0x3FAE]  }
0x30: {  	s3 =	sld [smem:$0x3FB1]  }
0x31: {  	[smem:$0x3FBA] =	sst s10  }
0x32: {  	s10 =	sld [smem:$0x3FB8];
	_ =	sdelay $0x3  }
0x33: {  	p0 =	seq.s32 s10, $0x1;
	s10 =	sld [smem:$0x3FBA];
	_ =	sdelay $0x3  }
0x34: {  	[smem:$0x3FBA] =	sst s10  }
0x35: {  	s10 =	sld [smem:$0x3FB9];
	_ =	sdelay $0x3  }
0x36: {  	p1 =	seq.s32 s10, $0x1;
	s10 =	sld [smem:$0x3FBA];
	_ =	sdelay $0x3  }
0x37: {  	[smem:$0x3FBA] =	sst s10  }
0x38: {  	s10 =	sld [smem:$0x3FBB]  }
0x39: {  	_ = 	snop;
	(pc) =	sbr.ind lr, $3  }
0x3a: {  	_ = 	snop  }
0x3b: {  	_ = 	snop  }
0x3c: {  	p2 =	seq.s32 s10, $0x1;
	s10 =	sld [smem:$0x3FBA]  }
0x3d: {  	_ =	shalt  }
0x3e: {  	_ =	shalt  }
0x3f: {  	_ =	shalt  }
0x40: {  	_ =	shalt  }
0x41: {  	_ =	shalt  }
0x42: {  	_ =	shalt  }
0x43: {  	_ =	shalt  }
0x44: {  	_ =	shalt  }
0x45: {  	_ =	shalt  }
0x46: {  	_ =	shalt  }
0x47: {  	_ =	shalt  }
0x48: {  	_ =	shalt  }
0x49: {  	_ =	shalt  }
0x4a: {  	_ =	shalt  }
0x4b: {  	_ =	shalt  }
0x4c: {  	_ =	shalt  }
0x4d: {  	_ =	shalt  }
0x4e: {  	_ =	shalt  }
0x4f: {  	_ =	shalt  }
0x50: {  	_ =	shalt  }
0x51: {  	_ =	shalt  }
0x52: {  	_ =	shalt  }
0x53: {  	_ =	shalt  }
0x54: {  	_ =	shalt  }
0x55: {  	_ =	shalt  }
0x56: {  	_ =	shalt  }
0x57: {  	_ =	shalt  }
0x58: {  	_ =	shalt  }
0x59: {  	_ =	shalt  }
0x5a: {  	_ =	shalt  }
0x5b: {  	_ =	shalt  }
0x5c: {  	_ =	shalt  }
0x5d: {  	_ =	shalt  }
0x5e: {  	_ =	shalt  }
0x5f: {  	_ =	shalt  }
0x60: {  	_ =	shalt  }
0x61: {  	_ =	shalt  }
0x62: {  	_ =	shalt  }
0x63: {  	_ =	shalt  }
0x64: {  	_ =	shalt  }
0x65: {  	_ =	shalt  }
0x66: {  	_ =	shalt  }
0x67: {  	_ =	shalt  }
0x68: {  	_ =	shalt  }
0x69: {  	_ =	shalt  }
0x6a: {  	_ =	shalt  }
0x6b: {  	_ =	shalt  }
0x6c: {  	_ =	shalt  }
0x6d: {  	_ =	shalt  }
0x6e: {  	_ =	shalt  }
0x6f: {  	_ =	shalt  }
0x70: {  	_ =	shalt  }
0x71: {  	_ =	shalt  }
0x72: {  	_ =	shalt  }
0x73: {  	_ =	shalt  }
0x74: {  	_ =	shalt  }
0x75: {  	_ =	shalt  }
0x76: {  	_ =	shalt  }
0x77: {  	_ =	shalt  }
0x78: {  	_ =	shalt  }
0x79: {  	_ =	shalt  }
0x7a: {  	_ =	shalt  }
0x7b: {  	_ =	shalt  }
0x7c: {  	_ =	shalt  }
0x7d: {  	_ =	shalt  }
0x7e: {  	_ =	shalt  }
0x7f: {  	_ =	shalt  }
0x80: {  	_ =	shalt  }
0x81: {  	_ =	shalt  }
0x82: {  	_ =	shalt  }
0x83: {  	_ =	shalt  }
0x84: {  	_ =	shalt  }
0x85: {  	_ =	shalt  }
0x86: {  	_ =	shalt  }
0x87: {  	_ =	shalt  }
.Lfunc_end0:
.L_simem_size_0:
called_computation_lowered:
.L_overlay_start_0:
0x88: {  	s2 =	sld [smem:$0x3FD9]  }
0x89: {  	s3 =	sld [smem:$0x3FFE];
	_ =	sdelay $0x1  }
0x8a: {  	s1 =	srdreg.scid  }
0x8b: {  	s0 =	sand.u32 $0x1, s1  }
0x8c: {  	s14 =	sshll.u32 s0, $0xA;
	s2 =	sadd.s32 s3, s2  }
0x8d: {  	s2 =	sadd.s32 s2, s14  }
0x8e: {  	[smem:$0x3FC6] =	sst s2  }
0x8f: {  	_ = 	snop  }
0x90: {  	s2 =	sld [smem:$0x3FD0];
	_ =	sdelay $0x2  }
0x91: {  	s15 =	simm.s32 $0xA;
	s4 =	simm.s32 $0x10  }
0x92: {  	[smem:s4], [sflag:s15] =	dma.local [hbm:s2], $0x1  }
0x93: {  	_ =	swait.eq [sflag:s15], $0x1  }
0x94: {  	s16 =	sld [smem:$0x10]  }
0x95: {  	s17 =	sld [smem:$0x11];
	[sflag:s15] =	ssyncset.done $0x0  }
0x96: {  	s5 =	sld [smem:$0x12];
	[sflag:s15] =	ssyncadd.s32 $0xFFFFFFFF  }
0x97: {  	s18 =	sld [smem:$0x13];
	(tm) =	ssettm $0x1  }
0x98: {  	s6 =	sld [smem:$0x3FFB];
	_ =	sdelay $0x3  }
0x99: {  	_ =	strace s6  }
0x9a: {  	s6 =	sld [smem:$0x3FFC];
	_ =	sdelay $0x3  }
0x9b: {  	_ =	strace s6  }
0x9c: {  	s6 =	sld [smem:$0x3FFD];
	_ =	sdelay $0x3  }
0x9d: {  	_ =	strace s6  }
0x9e: {  	_ =	strace $0x8FFFFFFF  }
0x9f: {  	s19 =	sld [smem:$0x3FDB];
	_ =	sdelay $0x1  }
0xa0: {  	s7 =	simm.s32 $_scs_section_size  }
0xa1: {  	s8 =	simm.s32 $_size__tile_overlayer_lowered;
	s9 =	simm.s32 $_tile_overlayer_lowered  }
0xa2: {  	s22 =	simm.s32 $0x1BFF;
	s21 =	sshll.u32 s9, $0x1;
	s6 =	sadd.s32 s7, s19  }
0xa3: {  	s10 =	simm.s32 $0x0;
	s20 =	sshll.u32 s8, $0x1;
	s8 =	sadd.s32 s21, s6  }
0xa4: {  	[timem:s10], [sflag:s22] =	dma.local [hbm:s8], s20  }
0xa5: {  	_ =	swait.ge [sflag:s22], s20  }
0xa6: {  	s7 =	ssub.s32 $0x0, s20;
	[sflag:s22] =	ssyncset.done $0x0  }
0xa7: {  	[sflag:s22] =	ssyncadd.s32 s7;
	_ =	sdelay $0x1  }
0xa8: {  	s23 =	simm.s32 $0x1B8B  }
0xa9: {  	_ =	swait.ge [sflag:s23], $0x1  }
0xaa: {  	[sflag:s23] =	ssyncset.done $0x0  }
0xab: {  	s25 =	simm.s32 $0x1B8E;
	s24 =	sld [smem:$0x3FFE];
	[sflag:s23] =	ssyncadd.s32 $0xFFFFFFFF  }
0xac: {  	s26 =	simm.s32 $execute0_lowered;
	[smem:$0x3FD2] =	sst s25  }
0xad: {  	s8 =	sshll.u32 s26, $0x1;
	_ =	strace $0x80000046;
	[dreg:$0x1] =	wrdreg $0xFFFFFFFF  }
0xae: {  	s28 =	simm.s32 $_size_execute0_lowered;
	s6 =	sadd.s32 s6, s8;
	[dreg:$0x0] =	wrdreg $0x0  }
0xaf: {  	s8 =	sshll.u32 s28, $0x1;
	[dreg:$0x2] =	wrdreg s6  }
0xb0: {  	[dreg:$0x3] =	wrdreg s8  }
0xb1: {  	[dreg:$0x4] =	wrdreg $0xC0  }
0xb2: {  	_ =	task [dreg:s10], $0x5FFFF  }
0xb3: {  	[dreg:$0x1] =	wrdreg $0xFFFFFFFF  }
0xb4: {  	[dreg:$0x0] =	wrdreg $0x60  }
0xb5: {  	[dreg:$0x2] =	wrdreg s18  }
0xb6: {  	[dreg:$0x3] =	wrdreg s17  }
0xb7: {  	[dreg:$0x4] =	wrdreg s24  }
0xb8: {  	[dreg:$0x5] =	wrdreg s16  }
0xb9: {  	[dreg:$0x6] =	wrdreg s5  }
0xba: {  	[dreg:$0x7] =	wrdreg $0x9  }
0xbb: {  	_ =	task.clear_ibuf [dreg:s10], $0x8FFFF;
	_ =	strace $0x90000046  }
0xbc: {  	s29 =	simm.s32 $0x9;
	_ =	strace $0x80000048  }
0xbd: {  	_ =	swait.ge [sflag:s29], $0x1  }
0xbe: {  	[sflag:s29] =	ssyncadd.s32 $0xFFFFFFFF  }
0xbf: {  	_ =	strace $0x90000048  }
0xc0: {  	_ =	sfence  }
0xc1: {  	s30 =	sld [smem:$0x0];
	_ =	sdelay $0x2  }
0xc2: {  	s31 =	sshll.u32 s1, $0xD;
	s1 =	sshrl.u32 s1, $0x2  }
0xc3: {  	s3 =	sand.u32 $0x4000, s31;
	s1 =	sadd.s32 s1, s30  }
0xc4: {  	s0 =	sor.u32 s3, s0;
	s1 =	sshll.u32 s1, $0x11  }
0xc5: {  	s0 =	sor.u32 s1, s0  }
0xc6: {  	s0 =	sadd.s32 $0x8F2B, s0  }
0xc7: {  	[sflag:s0] =	ssyncadd.remote.s32 $0x1  }
0xc8: {  	_ =	sfence.sel $0xFFFF  }
0xc9: {  	[dreg:$0x0] =	wrdreg $0xFFFFFFFF;
	(pc) =	sbr.abs _section_cstart, $3  }
0xca: {  	[dreg:$0x1] =	wrdreg $0xFFFFFFFF  }
0xcb: {  	_ =	task.clear_ibuf [dreg:s10], $0x2FFFF;
	_ =	strace $0x9FFFFFFF  }
0xcc: {  	(tm) =	ssettm $0x7FFFFFFF  }
0xcd: {  	_ =	shalt  }
tec
execute0_lowered:
.L_overlay_start_1:
0x0: {  	(tag) =	ssettag $0x1  }
0x1: {  	s3 =	rddreg [dreg:$0x0]  }
0x2: {  	s4 =	rddreg [dreg:$0x1]  }
0x3: {  	s5 =	rddreg [dreg:$0x2];
	s1 =	srdreg.scid  }
0x4: {  	s6 =	rddreg [dreg:$0x3];
	s0 =	stileid.u32;
	s8 =	sand.u32 $0x1, s1  }
0x5: {  	s9 =	rddreg [dreg:$0x4];
	s7 =	sshll.u32 s0, $0x8;
	s10 =	sshll.u32 s8, $0x7  }
0x6: {  	s2 =	simm.s32 $0x0;
	s1 =	rddreg [dreg:$0x5];
	s14 =	sor.u32 s10, s7  }
0x7: {  	[smem:$0x7FF] =	sst s2;
	s15 =	sshrl.u32 s14, $0x3  }
0x8: {  	_ =	strace $0x80000047;
	s7 =	sadd.s32 s3, s15;
	s3 =	simm.s32 $0x2  }
0x9: {  	[tilespmem:s2], [sflag:$0x2] =	stream.linear.gather [hbm4b:s7+s2], $0x80, $0x38;
	[tilespmem:$0x280] =	vst v63  }
0xa: {  	_ =	swait.ge [sflag:s3], $0x80  }
0xb: {  	s5 =	sadd.s32 s15, s5;
	[sflag:s3] =	ssyncset.done $0x0  }
0xc: {  	s11 =	simm.s32 $0x100;
	s10 =	sadd.s32 $0x600, s5;
	[sflag:s3] =	ssyncadd.s32 $0xFFFFFF80  }
0xd: {  	[tilespmem:s11], [sflag:$0x2] =	stream.linear.gather [hbm4b:s10+s2], $0x80, $0x38;
	[tilespmem:$0x280] =	vst v63  }
0xe: {  	_ =	swait.ge [sflag:s3], $0x80  }
0xf: {  	[sflag:s3] =	ssyncset.done $0x0  }
0x10: {  	s12 =	simm.s32 $0x80;
	s13 =	simm.s32 $0x1;
	[sflag:s3] =	ssyncadd.s32 $0xFFFFFF80  }
0x11: {  	[tilespmem:s12], [sflag:$0x1] =	stream.indirect.gather [hbm4b:s4+s12], $0x1, s2, s12, $0xb8;
	[tilespmem:$0x280] =	vst v63  }
0x12: {  	_ =	swait.ge [sflag:s13], $0x80  }
0x13: {  	[sflag:s13] =	ssyncset.done $0x0  }
0x14: {  	[sflag:s13] =	ssyncadd.s32 $0xFFFFFF80  }
0x15: {  	v11 =	vld [tilespmem:$0x150]  }
0x16: {  	v10 =	vld [tilespmem:$0x170]  }
0x17: {  	v8 =	vld [tilespmem:$0x160]  }
0x18: {  	v9 =	vld [tilespmem:$0x70]  }
0x19: {  	s28 =	ssub.s32 $0x2, s8;
	v12 =	vld [tilespmem:$0x100]  }
0x1a: {  	s8 =	sshrl.u32 s28, $0x1;
	v16 =	vld [tilespmem:$0x40]  }
0x1b: {  	s8 =	ssub.s32 s28, s8;
	v13 =	vld [tilespmem:$0x110]  }
0x1c: {  	s30 =	smax.u32 s8, $0x1;
	v18 =	vld [tilespmem:$0x140]  }
0x1d: {  	p0 =	sne.s32 s30, $0x1;
	v14 =	vld [tilespmem:$0x0]  }
.Ltmp0:
0x1e: {  	v19 =	vld [tilespmem:$0xC0];
	(pc) =	sbr.rel @!p0 .LBB2_2-.Ltmp0, $4  }
0x1f: {  	v4 =	vlaneseq.u32;
	s16 =	sor.u32 $0x10, s14;
	s17 =	sor.u32 $0x20, s14;
	s18 =	sor.u32 $0x30, s14;
	v17 =	vld [tilespmem:$0x10]  }
0x20: {  	s19 =	sor.u32 $0x40, s14;
	s29 =	sor.u32 $0x50, s14;
	v5 =	vor.u32 s14, v4;
	s31 =	sor.u32 $0x60, s14;
	v3 =	vor.u32 s16, v4;
	v15 =	vld [tilespmem:$0x60]  }
0x21: {  	s14 =	sor.u32 $0x70, s14;
	v1 =	vor.u32 s17, v4;
	v0 =	vor.u32 s18, v4;
	v7 =	vor.u32 s19, v4;
	s8 =	simm.s32 $0x200;
	s5 =	sadd.s32 s6, s15;
	v20 =	vld [tilespmem:$0x90]  }
0x22: {  	v2 =	vor.u32 s29, v4;
	v6 =	vor.u32 s31, v4;
	v4 =	vor.u32 s14, v4;
	s6 =	sadd.s32 s9, s15;
	s9 =	simm.s32 $0x180;
	s14 =	sadd.s32 $0xFFFFFFFF, s30;
	v21 =	vld [tilespmem:$0x80]  }
.LBB2_1:
0x23: {  	p0 =	sne.s32 s14, $0x1;
	s14 =	sadd.s32 $0xFFFFFFFF, s14;
	vm0 =	veq.s32 v19, v7;
	v19 =	vld [tilespmem:$0xE0]  }
0x24: {  	v16 =	vnsel vm0, $0xFFFFFFFF, v16;
	v18 =	vnsel vm0, $0xBF800000, v18;
	v22 =	vld [tilespmem:$0xD0]  }
0x25: {  	[tilespmem:$0x240] =	vst v18;
	v18 =	vld [tilespmem:$0x50]  }
0x26: {  	vm0 =	veq.s32 v20, v3;
	[tilespmem:$0x1C0] =	vst v16;
	v16 =	vld [tilespmem:$0xF0]  }
0x27: {  	vm1 =	veq.s32 v21, v5;
	v17 =	vnsel vm0, $0xFFFFFFFF, v17;
	v20 =	vld [tilespmem:$0xA0]  }
0x28: {  	v13 =	vnsel vm0, $0xBF800000, v13;
	v12 =	vnsel vm1, $0xBF800000, v12;
	[tilespmem:$0x190] =	vst v17;
	v17 =	vld [tilespmem:$0x120];
	vm0 =	veq.s32 v19, v6  }
0x29: {  	v14 =	vnsel vm1, $0xFFFFFFFF, v14;
	v19 =	vld [tilespmem:$0x20];
	vm1 =	veq.s32 v22, v2;
	v15 =	vnsel vm0, $0xFFFFFFFF, v15  }
0x2a: {  	v8 =	vnsel vm0, $0xBF800000, v8;
	[tilespmem:$0x180] =	vst v14;
	v14 =	vnsel vm1, $0xFFFFFFFF, v18;
	v11 =	vnsel vm1, $0xBF800000, v11  }
0x2b: {  	[tilespmem:$0x1E0] =	vst v15;
	vm0 =	veq.s32 v16, v4  }
0x2c: {  	[tilespmem:$0x210] =	vst v13;
	vm1 =	veq.s32 v20, v1;
	v13 =	vld [tilespmem:$0x130];
	v9 =	vnsel vm0, $0xFFFFFFFF, v9;
	v10 =	vnsel vm0, $0xBF800000, v10  }
0x2d: {  	v15 =	vnsel vm1, $0xBF800000, v17;
	v16 =	vld [tilespmem:$0xB0];
	[tilespmem:$0x270] =	vst v10  }
0x2e: {  	v10 =	vnsel vm1, $0xFFFFFFFF, v19;
	v17 =	vld [tilespmem:$0x30];
	[tilespmem:$0x1D0] =	vst v14  }
0x2f: {  	[tilespmem:$0x250] =	vst v11  }
0x30: {  	[tilespmem:$0x1F0] =	vst v9  }
0x31: {  	[tilespmem:$0x200] =	vst v12  }
0x32: {  	[tilespmem:$0x220] =	vst v15;
	vm0 =	veq.s32 v16, v0  }
0x33: {  	v9 =	vnsel vm0, $0xFFFFFFFF, v17;
	v11 =	vnsel vm0, $0xBF800000, v13;
	[tilespmem:$0x260] =	vst v8  }
0x34: {  	[tilespmem:$0x230] =	vst v11  }
0x35: {  	[tilespmem:$0x1A0] =	vst v10  }
0x36: {  	[tilespmem:$0x1B0] =	vst v9  }
0x37: {  	[hbm4b:s5+s2] =	stream.linear.scatter [tilespmem:s9], [sflag:$0x2], $0x80, $0x38;
	[tilespmem:$0x280] =	vst v63  }
0x38: {  	_ =	swait.ge [sflag:s3], $0x80  }
0x39: {  	[sflag:s3] =	ssyncset.done $0x0  }
0x3a: {  	[sflag:s3] =	ssyncadd.s32 $0xFFFFFF80  }
0x3b: {  	[hbm4b:s6+s2] =	stream.linear.scatter [tilespmem:s8], [sflag:$0x2], $0x80, $0x38;
	[tilespmem:$0x280] =	vst v63  }
0x3c: {  	_ =	swait.ge [sflag:s3], $0x80  }
0x3d: {  	[sflag:s3] =	ssyncset.done $0x0  }
0x3e: {  	[sflag:s3] =	ssyncadd.s32 $0xFFFFFF80  }
0x3f: {  	[tilespmem:s2], [sflag:$0x2] =	stream.linear.gather [hbm4b:s7+s2], $0x80, $0x38;
	[tilespmem:$0x280] =	vst v63  }
0x40: {  	_ =	swait.ge [sflag:s3], $0x80  }
0x41: {  	[sflag:s3] =	ssyncset.done $0x0  }
0x42: {  	[sflag:s3] =	ssyncadd.s32 $0xFFFFFF80  }
0x43: {  	[tilespmem:s11], [sflag:$0x2] =	stream.linear.gather [hbm4b:s10+s2], $0x80, $0x38;
	[tilespmem:$0x280] =	vst v63  }
0x44: {  	_ =	swait.ge [sflag:s3], $0x80  }
0x45: {  	[sflag:s3] =	ssyncset.done $0x0  }
0x46: {  	[sflag:s3] =	ssyncadd.s32 $0xFFFFFF80  }
0x47: {  	[tilespmem:s12], [sflag:$0x1] =	stream.indirect.gather [hbm4b:s4+s12], $0x1, s2, s12, $0xb8;
	[tilespmem:$0x280] =	vst v63  }
0x48: {  	_ =	swait.ge [sflag:s13], $0x80  }
0x49: {  	[sflag:s13] =	ssyncset.done $0x0  }
0x4a: {  	[sflag:s13] =	ssyncadd.s32 $0xFFFFFF80  }
0x4b: {  	v11 =	vld [tilespmem:$0x150]  }
0x4c: {  	v10 =	vld [tilespmem:$0x170]  }
0x4d: {  	v8 =	vld [tilespmem:$0x160]  }
0x4e: {  	v9 =	vld [tilespmem:$0x70]  }
0x4f: {  	v12 =	vld [tilespmem:$0x100]  }
0x50: {  	v16 =	vld [tilespmem:$0x40]  }
0x51: {  	v13 =	vld [tilespmem:$0x110]  }
0x52: {  	v18 =	vld [tilespmem:$0x140]  }
0x53: {  	v14 =	vld [tilespmem:$0x0]  }
.Ltmp1:
0x54: {  	v19 =	vld [tilespmem:$0xC0];
	(pc) =	sbr.rel @p0 .LBB2_1-.Ltmp1, $4  }
0x55: {  	v17 =	vld [tilespmem:$0x10]  }
0x56: {  	v15 =	vld [tilespmem:$0x60]  }
0x57: {  	v20 =	vld [tilespmem:$0x90]  }
0x58: {  	v21 =	vld [tilespmem:$0x80]  }
.LBB2_2:
0x59: {  	_ = 	snop  }
0x5a: {  	vm0 =	veq.s32 v19, v7  }
0x5b: {  	v22 =	vld [tilespmem:$0xE0];
	v7 =	vnsel vm0, $0xBF800000, v18  }
0x5c: {  	v45 =	vld [tilespmem:$0xF0];
	v16 =	vnsel vm0, $0xFFFFFFFF, v16;
	[tilespmem:$0x240] =	vst v7;
	vm12 =	veq.s32 v20, v3  }
0x5d: {  	v46 =	vld [tilespmem:$0xD0];
	[tilespmem:$0x1C0] =	vst v16;
	v48 =	vnsel vm12, $0xFFFFFFFF, v17  }
0x5e: {  	v47 =	vld [tilespmem:$0x50];
	vm1 =	veq.s32 v21, v5;
	v13 =	vnsel vm12, $0xBF800000, v13;
	[tilespmem:$0x190] =	vst v48  }
0x5f: {  	v49 =	vnsel vm1, $0xFFFFFFFF, v14;
	[tilespmem:$0x210] =	vst v13  }
0x60: {  	v50 =	vld [tilespmem:$0xA0];
	vm2 =	veq.s32 v22, v6;
	v58 =	vnsel vm1, $0xBF800000, v12;
	[tilespmem:$0x180] =	vst v49  }
0x61: {  	v51 =	vld [tilespmem:$0x120];
	vm13 =	veq.s32 v45, v4;
	v6 =	vnsel vm2, $0xFFFFFFFF, v15;
	[tilespmem:$0x200] =	vst v58  }
0x62: {  	v53 =	vld [tilespmem:$0xB0];
	vm3 =	veq.s32 v46, v2;
	v52 =	vnsel vm13, $0xBF800000, v10;
	[tilespmem:$0x1E0] =	vst v6  }
0x63: {  	v55 =	vld [tilespmem:$0x130];
	v3 =	vnsel vm3, $0xFFFFFFFF, v47;
	[tilespmem:$0x270] =	vst v52  }
0x64: {  	v57 =	vld [tilespmem:$0x20];
	v54 =	vnsel vm3, $0xBF800000, v11;
	[tilespmem:$0x1D0] =	vst v3  }
0x65: {  	v59 =	vld [tilespmem:$0x30];
	vm14 =	veq.s32 v50, v1;
	v56 =	vnsel vm13, $0xFFFFFFFF, v9;
	[tilespmem:$0x250] =	vst v54  }
0x66: {  	v60 =	vnsel vm14, $0xBF800000, v51;
	[tilespmem:$0x1F0] =	vst v56  }
0x67: {  	vm15 =	veq.s32 v53, v0;
	v61 =	vnsel vm2, $0xBF800000, v8;
	[tilespmem:$0x220] =	vst v60  }
0x68: {  	v0 =	vnsel vm15, $0xBF800000, v55;
	[tilespmem:$0x260] =	vst v61  }
0x69: {  	v62 =	vnsel vm14, $0xFFFFFFFF, v57;
	[tilespmem:$0x230] =	vst v0  }
0x6a: {  	v63 =	vnsel vm15, $0xFFFFFFFF, v59;
	[tilespmem:$0x1A0] =	vst v62  }
0x6b: {  	[tilespmem:$0x1B0] =	vst v63  }
0x6c: {  	[hbm4b:s5+s2] =	stream.linear.scatter [tilespmem:s9], [sflag:$0x2], $0x80, $0x38;
	[tilespmem:$0x280] =	vst v63  }
0x6d: {  	_ =	swait.ge [sflag:s3], $0x80  }
0x6e: {  	[sflag:s3] =	ssyncset.done $0x0  }
0x6f: {  	[sflag:s3] =	ssyncadd.s32 $0xFFFFFF80  }
0x70: {  	[hbm4b:s6+s2] =	stream.linear.scatter [tilespmem:s8], [sflag:$0x2], $0x80, $0x38;
	[tilespmem:$0x280] =	vst v63  }
0x71: {  	_ =	swait.ge [sflag:s3], $0x80  }
0x72: {  	[sflag:s3] =	ssyncset.done $0x0  }
0x73: {  	[sflag:s3] =	ssyncadd.s32 $0xFFFFFF80  }
0x74: {  	_ =	sfence.sel $0x180000  }
0x75: {  	[bflag:$0x0] =	sbarrier.arrive $0xFFFF  }
0x76: {  	p0 =	sne.s32 s0, $0x0;
	_ =	strace $0x90000047  }
0x77: {  	s0 =	sadd.s32 @!p0 $0x100000, s1;
	[bflag:$0x2] =	sbarrier.arrive $0xFFFF  }
0x78: {  	[sflag:s0] =	ssyncadd.tile.s32 @!p0 $0x1;
	_ =	shalt  }
.Lfunc_end2:
_tile_overlayer_lowered:
.L_overlay_start_2:
0x79: {  	(tag) =	ssettag $0x2  }
0x7a: {  	s0 =	rddreg [dreg:$0x0];
	s2 =	stileid.u32  }
0x7b: {  	s1 =	rddreg [dreg:$0x1];
	p0 =	sne.s32 s2, $0x0  }
0x7c: {  	s3 =	rddreg [dreg:$0x2];
	[bflag:$0x3] =	sbarrier.arrive $0xFFFF;
	s2 =	simm.s32 @!p0 $0x1C02  }
0x7d: {  	[timem:s3], [sflag:s2] =	dma.local @!p0 [hbm:s0], s1  }
0x7e: {  	s0 =	simm.s32 @!p0 $0x2  }
0x7f: {  	_ =	swait.ge @!p0 [sflag:s0], s1  }
0x80: {  	s1 =	ssub.s32 @!p0 $0x0, s1;
	[sflag:s0] =	ssyncset.done @!p0 $0x0  }
0x81: {  	[sflag:s0] =	ssyncadd.s32 @!p0 s1  }
0x82: {  	[bflag:$0x3] =	sbarrier.arrive $0xFFFF  }
0x83: {  	_ =	shalt  }

</sc_bundles>
